<compile_context>
chip_gen: v7x
topology: tpu7x:2x2x1
jax: 0.10.2.dev20260603
libtpu: 0.0.44.dev20260713+nightly
codegen_flags: <defaults>
</compile_context>

<pallas_src>
import dataclasses
import functools

import jax
import jax.numpy as jnp
from jax import lax
from jax.experimental import pallas as pl
from jax.experimental.pallas import tpu as pltpu
from jax.experimental.pallas import tpu_sc as plsc

VOCAB = 1000
EMB = 128
FIELDS = 26
SUB = 8
NW = 32

G = 2
WIN = SUB * FIELDS
RING = 4


def kernel(indices, tables):
    batch = indices.shape[0]
    ngrp = batch // SUB
    grp_w = ngrp // NW
    nsteps_w = grp_w // G
    n = batch * FIELDS
    nw_ = n // NW
    flat_tables = tables.reshape(FIELDS * VOCAB, EMB)
    offs = (jnp.arange(n, dtype=indices.dtype) % FIELDS) * VOCAB
    biased = indices.reshape(n) + offs

    mesh = plsc.VectorSubcoreMesh(core_axis_name="core", subcore_axis_name="subcore")

    cp = pltpu.CompilerParams()
    if "needs_layout_passes" in pltpu.CompilerParams.__dataclass_fields__:
        cp = dataclasses.replace(cp, needs_layout_passes=False)

    @functools.partial(
        pl.kernel,
        out_type=jax.ShapeDtypeStruct((ngrp, FIELDS, SUB, EMB), tables.dtype),
        mesh=mesh,
        scratch_types=[
            pltpu.VMEM((nw_,), jnp.int32),
            pltpu.VMEM((RING * G * WIN,), jnp.int32),
            pltpu.SemaphoreType.DMA,
            pltpu.SemaphoreType.DMA,
        ],
        compiler_params=cp,
    )
    def gather_kernel(x_hbm, i_hbm, o_hbm, raw_v, idx_ring, sem_a, sem_b):
        cid = lax.axis_index(("core", "subcore"))

        pltpu.sync_copy(i_hbm.at[pl.ds(cid * nw_, nw_)], raw_v)

        lane = lax.broadcasted_iota(jnp.int32, (16,), 0)
        bi16 = lane % SUB
        fh16 = lane // SUB

        def permute_step(s):
            slot = s % RING

            @pl.loop(0, G)
            def _(k):
                @pl.loop(0, FIELDS // 2)
                def _(j):
                    src16 = (s * G + k) * WIN + FIELDS * bi16 + 2 * j + fh16
                    vals = plsc.load_gather(raw_v, [src16])
                    idx_ring[pl.ds((slot * G + k) * WIN + j * 16, 16)] = vals

        permute_step(0)
        permute_step(1)

        def body(grid_idx, o_vmem):
            (i,) = grid_idx
            li = i - cid * nsteps_w
            slot = li % RING
            o_flat = o_vmem.reshape(G * WIN, EMB)
            ca = pltpu.make_async_copy(
                x_hbm.at[idx_ring.at[pl.ds(slot * G * WIN, WIN)]],
                o_flat.at[pl.ds(0, WIN), :],
                sem_a,
            )
            cb = pltpu.make_async_copy(
                x_hbm.at[idx_ring.at[pl.ds(slot * G * WIN + WIN, WIN)]],
                o_flat.at[pl.ds(WIN, WIN), :],
                sem_b,
            )
            ca.start()
            cb.start()

            @pl.when(li + 2 < nsteps_w)
            def _():
                permute_step(li + 2)

            ca.wait()
            cb.wait()

        pltpu.emit_pipeline(
            body,
            grid=(ngrp // G,),
            out_specs=[
                pl.BlockSpec((G, FIELDS, SUB, EMB), index_map=lambda i: (i, 0, 0, 0))
            ],
            core_axis_name=("core", "subcore"),
            dimension_semantics=(pltpu.PARALLEL,),
            _explicit_indices=True,
        )(o_hbm)

    out4 = gather_kernel(flat_tables, biased)
    return out4.transpose(0, 2, 1, 3).reshape(batch, FIELDS * EMB)

# --- scband reference (transcript-rebuilt; emitter-appended) ---
"""Pipeline reference for scband-embedding-module-50568944943396 (READ-ONLY COPY).

The authoritative reference and input builder live on the scoring server;
editing this copy changes nothing except your own understanding.
"""

import jax, jax.numpy as jnp
import numpy as np

VOCAB = 1000
EMB = 128
FIELDS = 26
BATCH = 16384


def setup_inputs(seed: int = 0) -> dict:
    key = jax.random.key(seed)
    k1, k2 = jax.random.split(key)
    indices = jax.random.randint(k1, (BATCH, FIELDS), 0, VOCAB, dtype=jnp.int64 if jax.config.jax_enable_x64 else jnp.int32)
    # One embedding table per sparse field, stacked: [FIELDS, VOCAB, EMB]
    tables = jax.random.normal(k2, (FIELDS, VOCAB, EMB), dtype=jnp.float32) * 0.02
    return {"indices": indices, "tables": tables}


def reference(indices, tables):
    # For each field f: emb_f(indices[:, f]) -> [BATCH, EMB]; concat over fields.
    # vmap over the field axis: tables axis 0, indices axis 1.
    gathered = jax.vmap(lambda t, i: jnp.take(t, i, axis=0), in_axes=(0, 1))(tables, indices)  # [FIELDS, BATCH, EMB]
    out = jnp.transpose(gathered, (1, 0, 2)).reshape(indices.shape[0], FIELDS * EMB)
    return out

if __name__ == "__main__":
    import jax
    _d = setup_inputs()
    print(jax.jit(kernel)(*tuple(_d.values())))

</pallas_src>

<mosaic_0001>
#map = affine_map<(d0, d1) -> (0, 0)>
#map1 = affine_map<(d0, d1) -> (0)>
#map2 = affine_map<(d0, d1) -> (0, 0, 0, 0)>
module attributes {stable_mosaic.version = 14 : i64} {
  func.func @gather_kernel(%arg0: i32, %arg1: i32, %arg2: memref<26000x128xf32, #tpu.memory_space<hbm>>, %arg3: memref<425984xi32, #tpu.memory_space<hbm>>, %arg4: memref<2048x26x8x128xf32, #tpu.memory_space<hbm>>, %arg5: memref<13312xi32, #tpu.memory_space<vmem>>, %arg6: memref<1664xi32, #tpu.memory_space<vmem>>, %arg7: memref<!tpu.dma_semaphore, #tpu.memory_space<semaphore_mem>>, %arg8: memref<!tpu.dma_semaphore, #tpu.memory_space<semaphore_mem>>) attributes {dimension_semantics = [#tpu.dimension_semantics<core_parallel>, #tpu.dimension_semantics<subcore_parallel>], iteration_bounds = array<i64: 2, 16>, scalar_prefetch = 0 : i64, scratch_operands = 4 : i64, tpu.core_type = #tpu.core_type<sc_vector_subcore>, window_params = [{transform_indices = #map}, {transform_indices = #map1}, {transform_indices = #map2}]} {
    %mul3A = arith.constant 1 : i32
    %mul3A_0 = arith.muli %arg1, %mul3A : i32
    %add3A = arith.constant 0 : i32
    %add3A_1 = arith.addi %add3A, %mul3A_0 : i32
    %mul3A_2 = arith.constant 16 : i32
    %mul3A_3 = arith.muli %arg0, %mul3A_2 : i32
    %add3A_4 = arith.addi %add3A_1, %mul3A_3 : i32
    %mul3A_5 = arith.constant 13312 : i32
    %mul3A_6 = arith.muli %add3A_4, %mul3A_5 : i32
    "tpu.region"() ({
      %run_scoped3A = tpu.sem_alloc : memref<!tpu.dma_semaphore, #tpu.memory_space<semaphore_mem>>
      %dma_start3A = tpu.memref_slice %arg3[%mul3A_6] : memref<425984xi32, #tpu.memory_space<hbm>> -> memref<13312xi32, #tpu.memory_space<hbm>>
      %dma_start3A_68 = tpu.memref_slice %arg3[%mul3A_6] : memref<425984xi32, #tpu.memory_space<hbm>> -> memref<13312xi32, #tpu.memory_space<hbm>>
      tpu.enqueue_dma source(%dma_start3A_68 : memref<13312xi32, #tpu.memory_space<hbm>>) target(%arg5 : memref<13312xi32, #tpu.memory_space<vmem>>) target_semaphore(%run_scoped3A : memref<!tpu.dma_semaphore, #tpu.memory_space<semaphore_mem>>)
      %dma_wait3A = tpu.memref_slice %arg3[%mul3A_6] : memref<425984xi32, #tpu.memory_space<hbm>> -> memref<13312xi32, #tpu.memory_space<hbm>>
      %dma_wait3A_69 = tpu.memref_slice %arg3[%mul3A_6] : memref<425984xi32, #tpu.memory_space<hbm>> -> memref<13312xi32, #tpu.memory_space<hbm>>
      tpu.wait_dma2 semaphore(%run_scoped3A : memref<!tpu.dma_semaphore, #tpu.memory_space<semaphore_mem>>) src(%dma_wait3A_69 : memref<13312xi32, #tpu.memory_space<hbm>>) dst(%arg5 : memref<13312xi32, #tpu.memory_space<vmem>>)
      tpu.yield
    }) : () -> ()
    %iota3A = tpu.iota {dimensions = array<i32: 0>} : vector<16xi32>
    %jit3A = arith.constant 8 : i32
    %eq3A = arith.constant 0 : i32
    %eq3A_7 = arith.cmpi eq, %jit3A, %eq3A : i32
    %jit3A_8 = arith.constant 1 : i32
    %select_n3A = arith.select %eq3A_7, %jit3A_8, %jit3A : i32
    %rem3A = vector.broadcast %select_n3A : i32 to vector<16xi32>
    %rem3A_9 = arith.remsi %iota3A, %rem3A : vector<16xi32>
    %ne3A = arith.constant 0 : i32
    %ne3A_10 = vector.broadcast %ne3A : i32 to vector<16xi32>
    %ne3A_11 = arith.cmpi ne, %rem3A_9, %ne3A_10 : vector<16xi32>
    %lt3A = arith.constant 0 : i32
    %lt3A_12 = vector.broadcast %lt3A : i32 to vector<16xi32>
    %lt3A_13 = arith.cmpi slt, %rem3A_9, %lt3A_12 : vector<16xi32>
    %lt3A_14 = arith.constant 0 : i32
    %lt3A_15 = arith.cmpi slt, %select_n3A, %lt3A_14 : i32
    %ne3A_16 = vector.broadcast %lt3A_15 : i1 to vector<16xi1>
    %ne3A_17 = vector.broadcast %ne3A_16 : vector<16xi1> to vector<16xi1>
    %ne3A_18 = arith.xori %lt3A_13, %ne3A_17 : vector<16xi1>
    %and3A = arith.andi %ne3A_18, %ne3A_11 : vector<16xi1>
    %add3A_19 = vector.broadcast %select_n3A : i32 to vector<16xi32>
    %add3A_20 = arith.addi %rem3A_9, %add3A_19 : vector<16xi32>
    %select_n3A_21 = arith.select %and3A, %add3A_20, %rem3A_9 : vector<16xi1>, vector<16xi32>
    %jit3A_22 = arith.constant 8 : i32
    %div3A = vector.broadcast %jit3A_22 : i32 to vector<16xi32>
    %div3A_23 = arith.divsi %iota3A, %div3A : vector<16xi32>
    %sign3A = arith.constant 0 : i32
    %sign3A_24 = vector.broadcast %sign3A : i32 to vector<16xi32>
    %sign3A_25 = arith.cmpi sgt, %iota3A, %sign3A_24 : vector<16xi32>
    %sign3A_26 = arith.extui %sign3A_25 : vector<16xi1> to vector<16xi32>
    %sign3A_27 = arith.constant 0 : i32
    %sign3A_28 = vector.broadcast %sign3A_27 : i32 to vector<16xi32>
    %sign3A_29 = arith.cmpi slt, %iota3A, %sign3A_28 : vector<16xi32>
    %sign3A_30 = arith.extui %sign3A_29 : vector<16xi1> to vector<16xi32>
    %sign3A_31 = arith.subi %sign3A_26, %sign3A_30 : vector<16xi32>
    %sign3A_32 = arith.constant 0 : i32
    %sign3A_33 = arith.cmpi sgt, %jit3A_22, %sign3A_32 : i32
    %sign3A_34 = arith.extui %sign3A_33 : i1 to i32
    %sign3A_35 = arith.constant 0 : i32
    %sign3A_36 = arith.cmpi slt, %jit3A_22, %sign3A_35 : i32
    %sign3A_37 = arith.extui %sign3A_36 : i1 to i32
    %sign3A_38 = arith.subi %sign3A_34, %sign3A_37 : i32
    %ne3A_39 = vector.broadcast %sign3A_38 : i32 to vector<16xi32>
    %ne3A_40 = arith.cmpi ne, %sign3A_31, %ne3A_39 : vector<16xi32>
    %rem3A_41 = vector.broadcast %jit3A_22 : i32 to vector<16xi32>
    %rem3A_42 = arith.remsi %iota3A, %rem3A_41 : vector<16xi32>
    %ne3A_43 = arith.constant 0 : i32
    %ne3A_44 = vector.broadcast %ne3A_43 : i32 to vector<16xi32>
    %ne3A_45 = arith.cmpi ne, %rem3A_42, %ne3A_44 : vector<16xi32>
    %and3A_46 = arith.andi %ne3A_40, %ne3A_45 : vector<16xi1>
    %sub3A = arith.constant 1 : i32
    %sub3A_47 = vector.broadcast %sub3A : i32 to vector<16xi32>
    %sub3A_48 = arith.subi %div3A_23, %sub3A_47 : vector<16xi32>
    %select_n3A_49 = arith.select %and3A_46, %sub3A_48, %div3A_23 : vector<16xi1>, vector<16xi32>
    %scan3A = arith.constant 0 : i32
    %scan3A_50 = arith.constant 2 : i32
    %scan3A_51 = arith.addi %scan3A, %scan3A_50 : i32
    %scan3A_52 = arith.constant 1 : i32
    scf.for %scan3A_68 = %scan3A to %scan3A_51 step %scan3A_52  : i32 {
      %mul3A_69 = arith.constant 1 : i32
      %mul3A_70 = arith.muli %scan3A_68, %mul3A_69 : i32
      %add3A_71 = arith.constant 0 : i32
      %add3A_72 = arith.addi %add3A_71, %mul3A_70 : i32
      %scan3A_73 = arith.constant 0 : i32
      %scan3A_74 = arith.constant 13 : i32
      %scan3A_75 = arith.addi %scan3A_73, %scan3A_74 : i32
      %scan3A_76 = arith.constant 1 : i32
      scf.for %scan3A_78 = %scan3A_73 to %scan3A_75 step %scan3A_76  : i32 {
        %mul3A_79 = arith.constant 1 : i32
        %mul3A_80 = arith.muli %scan3A_78, %mul3A_79 : i32
        %add3A_81 = arith.constant 0 : i32
        %add3A_82 = arith.addi %add3A_81, %mul3A_80 : i32
        %add3A_83 = arith.constant 0 : i32
        %add3A_84 = arith.addi %add3A_83, %add3A_72 : i32
        %mul3A_85 = arith.constant 208 : i32
        %mul3A_86 = arith.muli %add3A_84, %mul3A_85 : i32
        %mul3A_87 = arith.constant 26 : i32
        %mul3A_88 = vector.broadcast %mul3A_87 : i32 to vector<16xi32>
        %mul3A_89 = arith.muli %mul3A_88, %select_n3A_21 : vector<16xi32>
        %add3A_90 = vector.broadcast %mul3A_86 : i32 to vector<16xi32>
        %add3A_91 = arith.addi %add3A_90, %mul3A_89 : vector<16xi32>
        %mul3A_92 = arith.constant 2 : i32
        %mul3A_93 = arith.muli %mul3A_92, %add3A_82 : i32
        %add3A_94 = vector.broadcast %mul3A_93 : i32 to vector<16xi32>
        %add3A_95 = arith.addi %add3A_91, %add3A_94 : vector<16xi32>
        %add3A_96 = arith.addi %add3A_95, %select_n3A_49 : vector<16xi32>
        %gather3A = tpu.vector_load_idx %arg5[%add3A_96] : memref<13312xi32, #tpu.memory_space<vmem>>[vector<16xi32>], vector<16xi32>,
        %add3A_97 = arith.constant 0 : i32
        %add3A_98 = arith.addi %add3A_97, %add3A_72 : i32
        %mul3A_99 = arith.constant 208 : i32
        %mul3A_100 = arith.muli %add3A_98, %mul3A_99 : i32
        %mul3A_101 = arith.constant 16 : i32
        %mul3A_102 = arith.muli %add3A_82, %mul3A_101 : i32
        %add3A_103 = arith.addi %mul3A_100, %mul3A_102 : i32
        %swap3A = arith.index_cast %add3A_103 : i32 to index
        %swap3A_104 = tpu.vector_load %arg6[%swap3A] {strides = array<i32>} : memref<1664xi32, #tpu.memory_space<vmem>>, vector<16xi32>,
        tpu.vector_store %arg6[%swap3A], %gather3A {strides = array<i32>} : memref<1664xi32, #tpu.memory_space<vmem>>, vector<16xi32>,
      }
      %scan3A_77 = arith.constant 13 : i32
    }
    %scan3A_53 = arith.constant 2 : i32
    %scan3A_54 = arith.constant 0 : i32
    %scan3A_55 = arith.constant 2 : i32
    %scan3A_56 = arith.addi %scan3A_54, %scan3A_55 : i32
    %scan3A_57 = arith.constant 1 : i32
    scf.for %scan3A_68 = %scan3A_54 to %scan3A_56 step %scan3A_57  : i32 {
      %mul3A_69 = arith.constant 1 : i32
      %mul3A_70 = arith.muli %scan3A_68, %mul3A_69 : i32
      %add3A_71 = arith.constant 0 : i32
      %add3A_72 = arith.addi %add3A_71, %mul3A_70 : i32
      %scan3A_73 = arith.constant 0 : i32
      %scan3A_74 = arith.constant 13 : i32
      %scan3A_75 = arith.addi %scan3A_73, %scan3A_74 : i32
      %scan3A_76 = arith.constant 1 : i32
      scf.for %scan3A_78 = %scan3A_73 to %scan3A_75 step %scan3A_76  : i32 {
        %mul3A_79 = arith.constant 1 : i32
        %mul3A_80 = arith.muli %scan3A_78, %mul3A_79 : i32
        %add3A_81 = arith.constant 0 : i32
        %add3A_82 = arith.addi %add3A_81, %mul3A_80 : i32
        %add3A_83 = arith.constant 2 : i32
        %add3A_84 = arith.addi %add3A_83, %add3A_72 : i32
        %mul3A_85 = arith.constant 208 : i32
        %mul3A_86 = arith.muli %add3A_84, %mul3A_85 : i32
        %mul3A_87 = arith.constant 26 : i32
        %mul3A_88 = vector.broadcast %mul3A_87 : i32 to vector<16xi32>
        %mul3A_89 = arith.muli %mul3A_88, %select_n3A_21 : vector<16xi32>
        %add3A_90 = vector.broadcast %mul3A_86 : i32 to vector<16xi32>
        %add3A_91 = arith.addi %add3A_90, %mul3A_89 : vector<16xi32>
        %mul3A_92 = arith.constant 2 : i32
        %mul3A_93 = arith.muli %mul3A_92, %add3A_82 : i32
        %add3A_94 = vector.broadcast %mul3A_93 : i32 to vector<16xi32>
        %add3A_95 = arith.addi %add3A_91, %add3A_94 : vector<16xi32>
        %add3A_96 = arith.addi %add3A_95, %select_n3A_49 : vector<16xi32>
        %gather3A = tpu.vector_load_idx %arg5[%add3A_96] : memref<13312xi32, #tpu.memory_space<vmem>>[vector<16xi32>], vector<16xi32>,
        %add3A_97 = arith.constant 2 : i32
        %add3A_98 = arith.addi %add3A_97, %add3A_72 : i32
        %mul3A_99 = arith.constant 208 : i32
        %mul3A_100 = arith.muli %add3A_98, %mul3A_99 : i32
        %mul3A_101 = arith.constant 16 : i32
        %mul3A_102 = arith.muli %add3A_82, %mul3A_101 : i32
        %add3A_103 = arith.addi %mul3A_100, %mul3A_102 : i32
        %swap3A = arith.index_cast %add3A_103 : i32 to index
        %swap3A_104 = tpu.vector_load %arg6[%swap3A] {strides = array<i32>} : memref<1664xi32, #tpu.memory_space<vmem>>, vector<16xi32>,
        tpu.vector_store %arg6[%swap3A], %gather3A {strides = array<i32>} : memref<1664xi32, #tpu.memory_space<vmem>>, vector<16xi32>,
      }
      %scan3A_77 = arith.constant 13 : i32
    }
    %scan3A_58 = arith.constant 2 : i32
    %mul3A_59 = arith.constant 1 : i32
    %mul3A_60 = arith.muli %arg1, %mul3A_59 : i32
    %add3A_61 = arith.constant 0 : i32
    %add3A_62 = arith.addi %add3A_61, %mul3A_60 : i32
    %mul3A_63 = arith.constant 16 : i32
    %mul3A_64 = arith.muli %arg0, %mul3A_63 : i32
    %add3A_65 = arith.addi %add3A_62, %mul3A_64 : i32
    %mul3A_66 = arith.constant 32 : i32
    %mul3A_67 = arith.muli %add3A_65, %mul3A_66 : i32
    "tpu.region"() ({
      %run_scoped3A = memref.alloca() : memref<2x2x26x8x128xf32, #tpu.memory_space<vmem>>
      %run_scoped3A_68 = tpu.sem_alloc : memref<2x!tpu.dma_semaphore, #tpu.memory_space<semaphore_mem>>
      %add3A_69 = arith.constant 0 : i32
      %add3A_70 = arith.addi %add3A_69, %mul3A_67 : i32
      %select_n3A_71 = arith.constant true
      %select_n3A_72 = arith.constant 0 : i32
      %select_n3A_73 = arith.constant -1 : i32
      %select_n3A_74 = arith.select %select_n3A_71, %select_n3A_73, %select_n3A_72 : i32
      %eq3A_75 = arith.constant -1 : i32
      %eq3A_76 = arith.cmpi eq, %select_n3A_74, %eq3A_75 : i32
      %select_n3A_77 = arith.constant 31 : i32
      %select_n3A_78 = arith.select %eq3A_76, %select_n3A_77, %select_n3A_74 : i32
      %add3A_79 = arith.addi %select_n3A_78, %mul3A_67 : i32
      %select_n3A_80 = arith.constant true
      %select_n3A_81 = arith.constant 0 : i32
      %select_n3A_82 = arith.constant 1 : i32
      %select_n3A_83 = arith.select %select_n3A_80, %select_n3A_82, %select_n3A_81 : i32
      %eq3A_84 = arith.constant 32 : i32
      %eq3A_85 = arith.cmpi eq, %select_n3A_83, %eq3A_84 : i32
      %select_n3A_86 = arith.constant 0 : i32
      %select_n3A_87 = arith.select %eq3A_85, %select_n3A_86, %select_n3A_83 : i32
      %add3A_88 = arith.addi %select_n3A_87, %mul3A_67 : i32
      %add3A_89 = arith.constant 1 : i32
      %add3A_90 = arith.addi %select_n3A_87, %add3A_89 : i32
      %select_n3A_91 = arith.constant true
      %select_n3A_92 = arith.select %select_n3A_91, %add3A_90, %select_n3A_87 : i32
      %eq3A_93 = arith.constant 32 : i32
      %eq3A_94 = arith.cmpi eq, %select_n3A_92, %eq3A_93 : i32
      %select_n3A_95 = arith.constant 0 : i32
      %select_n3A_96 = arith.select %eq3A_94, %select_n3A_95, %select_n3A_92 : i32
      %add3A_97 = arith.addi %select_n3A_96, %mul3A_67 : i32
      %scan3A_98 = arith.constant 0 : i32
      %scan3A_99 = arith.constant 0 : i32
      %scan3A_100 = arith.constant 0 : i32
      %scan3A_101 = arith.constant 0 : i32
      %scan3A_102 = arith.constant 32 : i32
      %scan3A_103 = arith.addi %scan3A_101, %scan3A_102 : i32
      %scan3A_104 = arith.constant 1 : i32
      %scan3A_105:3 = scf.for %scan3A_168 = %scan3A_101 to %scan3A_103 step %scan3A_104 iter_args(%scan3A_169 = %scan3A_98, %scan3A_170 = %scan3A_99, %scan3A_171 = %scan3A_100) -> (i32, i32, i32)  : i32 {
        %eq3A_172 = arith.constant 0 : i32
        %eq3A_173 = arith.cmpi eq, %scan3A_168, %eq3A_172 : i32
        %eq3A_174 = arith.constant 31 : i32
        %eq3A_175 = arith.cmpi eq, %scan3A_168, %eq3A_174 : i32
        %add3A_176 = arith.addi %scan3A_171, %mul3A_67 : i32
        %sub3A_177 = arith.constant 1 : i32
        %sub3A_178 = arith.subi %scan3A_171, %sub3A_177 : i32
        %select_n3A_179 = arith.constant true
        %select_n3A_180 = arith.select %select_n3A_179, %sub3A_178, %scan3A_171 : i32
        %eq3A_181 = arith.constant -1 : i32
        %eq3A_182 = arith.cmpi eq, %select_n3A_180, %eq3A_181 : i32
        %select_n3A_183 = arith.constant 31 : i32
        %select_n3A_184 = arith.select %eq3A_182, %select_n3A_183, %select_n3A_180 : i32
        %add3A_185 = arith.addi %select_n3A_184, %mul3A_67 : i32
        %add3A_186 = arith.constant 1 : i32
        %add3A_187 = arith.addi %scan3A_171, %add3A_186 : i32
        %select_n3A_188 = arith.constant true
        %select_n3A_189 = arith.select %select_n3A_188, %add3A_187, %scan3A_171 : i32
        %eq3A_190 = arith.constant 32 : i32
        %eq3A_191 = arith.cmpi eq, %select_n3A_189, %eq3A_190 : i32
        %select_n3A_192 = arith.constant 0 : i32
        %select_n3A_193 = arith.select %eq3A_191, %select_n3A_192, %select_n3A_189 : i32
        %add3A_194 = arith.addi %select_n3A_193, %mul3A_67 : i32
        %add3A_195 = arith.constant 1 : i32
        %add3A_196 = arith.addi %select_n3A_193, %add3A_195 : i32
        %select_n3A_197 = arith.constant true
        %select_n3A_198 = arith.select %select_n3A_197, %add3A_196, %select_n3A_193 : i32
        %eq3A_199 = arith.constant 32 : i32
        %eq3A_200 = arith.cmpi eq, %select_n3A_198, %eq3A_199 : i32
        %select_n3A_201 = arith.constant 0 : i32
        %select_n3A_202 = arith.select %eq3A_200, %select_n3A_201, %select_n3A_198 : i32
        %add3A_203 = arith.addi %select_n3A_202, %mul3A_67 : i32
        %ne3A_204 = arith.cmpi ne, %add3A_176, %add3A_194 : i32
        %or3A = arith.constant false
        %or3A_205 = arith.ori %or3A, %ne3A_204 : i1
        %or3A_206 = arith.constant false
        %or3A_207 = arith.ori %or3A_205, %or3A_206 : i1
        %or3A_208 = arith.constant false
        %or3A_209 = arith.ori %or3A_207, %or3A_208 : i1
        %or3A_210 = arith.constant false
        %or3A_211 = arith.ori %or3A_209, %or3A_210 : i1
        %ge3A = arith.constant 31 : i32
        %ge3A_212 = arith.cmpi sge, %scan3A_168, %ge3A : i32
        %not3A = arith.constant true
        %not3A_213 = arith.xori %ge3A_212, %not3A : i1
        %and3A_214 = arith.andi %or3A_211, %not3A_213 : i1
        %ne3A_215 = arith.cmpi ne, %add3A_176, %add3A_185 : i32
        %or3A_216 = arith.constant false
        %or3A_217 = arith.ori %or3A_216, %ne3A_215 : i1
        %or3A_218 = arith.constant false
        %or3A_219 = arith.ori %or3A_217, %or3A_218 : i1
        %or3A_220 = arith.constant false
        %or3A_221 = arith.ori %or3A_219, %or3A_220 : i1
        %or3A_222 = arith.constant false
        %or3A_223 = arith.ori %or3A_221, %or3A_222 : i1
        %or3A_224 = arith.ori %or3A_223, %eq3A_173 : i1
        %convert_element_type3A = arith.extui %or3A_224 : i1 to i32
        %cond3A = arith.constant 0 : i32
        %cond3A_225 = arith.cmpi ne, %convert_element_type3A, %cond3A : i32
        scf.if %cond3A_225 {
        } else {
        }
        %rem3A_226 = arith.constant 2 : i32
        %rem3A_227 = arith.remui %scan3A_169, %rem3A_226 : i32
        "tpu.trace_start"() <{level = 10 : i32, message = "ep_run_kernel"}> : () -> ()
        %mul3A_228 = arith.constant 32 : i32
        %mul3A_229 = arith.muli %add3A_4, %mul3A_228 : i32
        %sub3A_230 = arith.subi %add3A_176, %mul3A_229 : i32
        %jit3A_231 = arith.constant 4 : i32
        %eq3A_232 = arith.constant 0 : i32
        %eq3A_233 = arith.cmpi eq, %jit3A_231, %eq3A_232 : i32
        %jit3A_234 = arith.constant 1 : i32
        %select_n3A_235 = arith.select %eq3A_233, %jit3A_234, %jit3A_231 : i32
        %rem3A_236 = arith.remsi %sub3A_230, %select_n3A_235 : i32
        %ne3A_237 = arith.constant 0 : i32
        %ne3A_238 = arith.cmpi ne, %rem3A_236, %ne3A_237 : i32
        %lt3A_239 = arith.constant 0 : i32
        %lt3A_240 = arith.cmpi slt, %rem3A_236, %lt3A_239 : i32
        %lt3A_241 = arith.constant 0 : i32
        %lt3A_242 = arith.cmpi slt, %select_n3A_235, %lt3A_241 : i32
        %ne3A_243 = arith.xori %lt3A_240, %lt3A_242 : i1
        %and3A_244 = arith.andi %ne3A_243, %ne3A_238 : i1
        %add3A_245 = arith.addi %rem3A_236, %select_n3A_235 : i32
        %select_n3A_246 = arith.select %and3A_244, %add3A_245, %rem3A_236 : i32
        %mul3A_247 = arith.constant 2 : i32
        %mul3A_248 = arith.muli %select_n3A_246, %mul3A_247 : i32
        %mul3A_249 = arith.constant 208 : i32
        %mul3A_250 = arith.muli %mul3A_248, %mul3A_249 : i32
        %mul3A_251 = arith.constant 2 : i32
        %mul3A_252 = arith.muli %select_n3A_246, %mul3A_251 : i32
        %mul3A_253 = arith.constant 208 : i32
        %mul3A_254 = arith.muli %mul3A_252, %mul3A_253 : i32
        %add3A_255 = arith.constant 208 : i32
        %add3A_256 = arith.addi %mul3A_254, %add3A_255 : i32
        %dma_start3A = arith.constant 0 : i32
        %dma_start3A_257 = arith.constant 0 : i32
        %dma_start3A_258 = arith.constant 0 : i32
        %dma_start3A_259 = arith.constant 0 : i32
        %dma_start3A_260 = tpu.memref_slice %run_scoped3A[%rem3A_227, %dma_start3A, %dma_start3A_257, %dma_start3A_258, %dma_start3A_259] : memref<2x2x26x8x128xf32, #tpu.memory_space<vmem>> -> memref<1x2x26x8x128xf32, #tpu.memory_space<vmem>>
        %dma_start3A_261 = tpu.memref_squeeze %dma_start3A_260 : memref<1x2x26x8x128xf32, #tpu.memory_space<vmem>> -> memref<2x26x8x128xf32, #tpu.memory_space<vmem>>
        %dma_start3A_262 = tpu.memref_reshape %dma_start3A_261 : memref<2x26x8x128xf32, #tpu.memory_space<vmem>> -> memref<416x128xf32, #tpu.memory_space<vmem>>
        %dma_start3A_263 = arith.constant 0 : i32
        %dma_start3A_264 = arith.constant 0 : i32
        %dma_start3A_265 = tpu.memref_slice %dma_start3A_262[%dma_start3A_263, %dma_start3A_264] : memref<416x128xf32, #tpu.memory_space<vmem>> -> memref<208x128xf32, #tpu.memory_space<vmem>>
        %dma_start3A_266 = tpu.memref_slice %arg6[%mul3A_250] : memref<1664xi32, #tpu.memory_space<vmem>> -> memref<208xi32, #tpu.memory_space<vmem>>
        %dma_start3A_267 = arith.constant 0 : i32
        %dma_start3A_268 = arith.constant 0 : i32
        %dma_start3A_269 = tpu.memref_slice %arg2[%dma_start3A_267, %dma_start3A_268] : memref<26000x128xf32, #tpu.memory_space<hbm>> -> memref<26000x128xf32, #tpu.memory_space<hbm>>
        tpu.enqueue_indirect_dma source(%dma_start3A_269 : memref<26000x128xf32, #tpu.memory_space<hbm>>) target(%dma_start3A_265 : memref<208x128xf32, #tpu.memory_space<vmem>>) offsets(%dma_start3A_266 : memref<208xi32, #tpu.memory_space<vmem>>) semaphore(%arg7 : memref<!tpu.dma_semaphore, #tpu.memory_space<semaphore_mem>>)
        %dma_start3A_270 = arith.constant 0 : i32
        %dma_start3A_271 = arith.constant 0 : i32
        %dma_start3A_272 = arith.constant 0 : i32
        %dma_start3A_273 = arith.constant 0 : i32
        %dma_start3A_274 = tpu.memref_slice %run_scoped3A[%rem3A_227, %dma_start3A_270, %dma_start3A_271, %dma_start3A_272, %dma_start3A_273] : memref<2x2x26x8x128xf32, #tpu.memory_space<vmem>> -> memref<1x2x26x8x128xf32, #tpu.memory_space<vmem>>
        %dma_start3A_275 = tpu.memref_squeeze %dma_start3A_274 : memref<1x2x26x8x128xf32, #tpu.memory_space<vmem>> -> memref<2x26x8x128xf32, #tpu.memory_space<vmem>>
        %dma_start3A_276 = tpu.memref_reshape %dma_start3A_275 : memref<2x26x8x128xf32, #tpu.memory_space<vmem>> -> memref<416x128xf32, #tpu.memory_space<vmem>>
        %dma_start3A_277 = arith.constant 208 : i32
        %dma_start3A_278 = arith.constant 0 : i32
        %dma_start3A_279 = tpu.memref_slice %dma_start3A_276[%dma_start3A_277, %dma_start3A_278] : memref<416x128xf32, #tpu.memory_space<vmem>> -> memref<208x128xf32, #tpu.memory_space<vmem>>
        %dma_start3A_280 = tpu.memref_slice %arg6[%add3A_256] : memref<1664xi32, #tpu.memory_space<vmem>> -> memref<208xi32, #tpu.memory_space<vmem>>
        %dma_start3A_281 = arith.constant 0 : i32
        %dma_start3A_282 = arith.constant 0 : i32
        %dma_start3A_283 = tpu.memref_slice %arg2[%dma_start3A_281, %dma_start3A_282] : memref<26000x128xf32, #tpu.memory_space<hbm>> -> memref<26000x128xf32, #tpu.memory_space<hbm>>
        tpu.enqueue_indirect_dma source(%dma_start3A_283 : memref<26000x128xf32, #tpu.memory_space<hbm>>) target(%dma_start3A_279 : memref<208x128xf32, #tpu.memory_space<vmem>>) offsets(%dma_start3A_280 : memref<208xi32, #tpu.memory_space<vmem>>) semaphore(%arg8 : memref<!tpu.dma_semaphore, #tpu.memory_space<semaphore_mem>>)
        %add3A_284 = arith.constant 2 : i32
        %add3A_285 = arith.addi %sub3A_230, %add3A_284 : i32
        %lt3A_286 = arith.constant 32 : i32
        %lt3A_287 = arith.cmpi slt, %add3A_285, %lt3A_286 : i32
        %convert_element_type3A_288 = arith.extui %lt3A_287 : i1 to i32
        %cond3A_289 = arith.constant 0 : i32
        %cond3A_290 = arith.cmpi ne, %convert_element_type3A_288, %cond3A_289 : i32
        scf.if %cond3A_290 {
          %add3A_365 = arith.constant 2 : i32
          %add3A_366 = arith.addi %sub3A_230, %add3A_365 : i32
          %jit3A_367 = arith.constant 4 : i32
          %eq3A_368 = arith.constant 0 : i32
          %eq3A_369 = arith.cmpi eq, %jit3A_367, %eq3A_368 : i32
          %jit3A_370 = arith.constant 1 : i32
          %select_n3A_371 = arith.select %eq3A_369, %jit3A_370, %jit3A_367 : i32
          %rem3A_372 = arith.remsi %add3A_366, %select_n3A_371 : i32
          %ne3A_373 = arith.constant 0 : i32
          %ne3A_374 = arith.cmpi ne, %rem3A_372, %ne3A_373 : i32
          %lt3A_375 = arith.constant 0 : i32
          %lt3A_376 = arith.cmpi slt, %rem3A_372, %lt3A_375 : i32
          %lt3A_377 = arith.constant 0 : i32
          %lt3A_378 = arith.cmpi slt, %select_n3A_371, %lt3A_377 : i32
          %ne3A_379 = arith.xori %lt3A_376, %lt3A_378 : i1
          %and3A_380 = arith.andi %ne3A_379, %ne3A_374 : i1
          %add3A_381 = arith.addi %rem3A_372, %select_n3A_371 : i32
          %select_n3A_382 = arith.select %and3A_380, %add3A_381, %rem3A_372 : i32
          %scan3A_383 = arith.constant 0 : i32
          %scan3A_384 = arith.constant 2 : i32
          %scan3A_385 = arith.addi %scan3A_383, %scan3A_384 : i32
          %scan3A_386 = arith.constant 1 : i32
          scf.for %scan3A_388 = %scan3A_383 to %scan3A_385 step %scan3A_386  : i32 {
            %mul3A_389 = arith.constant 1 : i32
            %mul3A_390 = arith.muli %scan3A_388, %mul3A_389 : i32
            %add3A_391 = arith.constant 0 : i32
            %add3A_392 = arith.addi %add3A_391, %mul3A_390 : i32
            %scan3A_393 = arith.constant 0 : i32
            %scan3A_394 = arith.constant 13 : i32
            %scan3A_395 = arith.addi %scan3A_393, %scan3A_394 : i32
            %scan3A_396 = arith.constant 1 : i32
            scf.for %scan3A_398 = %scan3A_393 to %scan3A_395 step %scan3A_396  : i32 {
              %mul3A_399 = arith.constant 1 : i32
              %mul3A_400 = arith.muli %scan3A_398, %mul3A_399 : i32
              %add3A_401 = arith.constant 0 : i32
              %add3A_402 = arith.addi %add3A_401, %mul3A_400 : i32
              %mul3A_403 = arith.constant 2 : i32
              %mul3A_404 = arith.muli %add3A_366, %mul3A_403 : i32
              %add3A_405 = arith.addi %mul3A_404, %add3A_392 : i32
              %mul3A_406 = arith.constant 208 : i32
              %mul3A_407 = arith.muli %add3A_405, %mul3A_406 : i32
              %mul3A_408 = arith.constant 26 : i32
              %mul3A_409 = vector.broadcast %mul3A_408 : i32 to vector<16xi32>
              %mul3A_410 = arith.muli %mul3A_409, %select_n3A_21 : vector<16xi32>
              %add3A_411 = vector.broadcast %mul3A_407 : i32 to vector<16xi32>
              %add3A_412 = arith.addi %add3A_411, %mul3A_410 : vector<16xi32>
              %mul3A_413 = arith.constant 2 : i32
              %mul3A_414 = arith.muli %mul3A_413, %add3A_402 : i32
              %add3A_415 = vector.broadcast %mul3A_414 : i32 to vector<16xi32>
              %add3A_416 = arith.addi %add3A_412, %add3A_415 : vector<16xi32>
              %add3A_417 = arith.addi %add3A_416, %select_n3A_49 : vector<16xi32>
              %gather3A = tpu.vector_load_idx %arg5[%add3A_417] : memref<13312xi32, #tpu.memory_space<vmem>>[vector<16xi32>], vector<16xi32>,
              %mul3A_418 = arith.constant 2 : i32
              %mul3A_419 = arith.muli %select_n3A_382, %mul3A_418 : i32
              %add3A_420 = arith.addi %mul3A_419, %add3A_392 : i32
              %mul3A_421 = arith.constant 208 : i32
              %mul3A_422 = arith.muli %add3A_420, %mul3A_421 : i32
              %mul3A_423 = arith.constant 16 : i32
              %mul3A_424 = arith.muli %add3A_402, %mul3A_423 : i32
              %add3A_425 = arith.addi %mul3A_422, %mul3A_424 : i32
              %swap3A = arith.index_cast %add3A_425 : i32 to index
              %swap3A_426 = tpu.vector_load %arg6[%swap3A] {strides = array<i32>} : memref<1664xi32, #tpu.memory_space<vmem>>, vector<16xi32>,
              tpu.vector_store %arg6[%swap3A], %gather3A {strides = array<i32>} : memref<1664xi32, #tpu.memory_space<vmem>>, vector<16xi32>,
            }
            %scan3A_397 = arith.constant 13 : i32
          }
          %scan3A_387 = arith.constant 2 : i32
        } else {
        }
        %dma_wait3A_291 = arith.constant 0 : i32
        %dma_wait3A_292 = arith.constant 0 : i32
        %dma_wait3A_293 = arith.constant 0 : i32
        %dma_wait3A_294 = arith.constant 0 : i32
        %dma_wait3A_295 = tpu.memref_slice %run_scoped3A[%rem3A_227, %dma_wait3A_291, %dma_wait3A_292, %dma_wait3A_293, %dma_wait3A_294] : memref<2x2x26x8x128xf32, #tpu.memory_space<vmem>> -> memref<1x2x26x8x128xf32, #tpu.memory_space<vmem>>
        %dma_wait3A_296 = tpu.memref_squeeze %dma_wait3A_295 : memref<1x2x26x8x128xf32, #tpu.memory_space<vmem>> -> memref<2x26x8x128xf32, #tpu.memory_space<vmem>>
        %dma_wait3A_297 = tpu.memref_reshape %dma_wait3A_296 : memref<2x26x8x128xf32, #tpu.memory_space<vmem>> -> memref<416x128xf32, #tpu.memory_space<vmem>>
        %dma_wait3A_298 = arith.constant 0 : i32
        %dma_wait3A_299 = arith.constant 0 : i32
        %dma_wait3A_300 = tpu.memref_slice %dma_wait3A_297[%dma_wait3A_298, %dma_wait3A_299] : memref<416x128xf32, #tpu.memory_space<vmem>> -> memref<208x128xf32, #tpu.memory_space<vmem>>
        %dma_wait3A_301 = tpu.memref_slice %arg6[%mul3A_250] : memref<1664xi32, #tpu.memory_space<vmem>> -> memref<208xi32, #tpu.memory_space<vmem>>
        %dma_wait3A_302 = arith.constant 0 : i32
        %dma_wait3A_303 = arith.constant 0 : i32
        %dma_wait3A_304 = tpu.memref_slice %arg2[%dma_wait3A_302, %dma_wait3A_303] : memref<26000x128xf32, #tpu.memory_space<hbm>> -> memref<26000x128xf32, #tpu.memory_space<hbm>>
        tpu.wait_indirect_dma semaphore(%arg7 : memref<!tpu.dma_semaphore, #tpu.memory_space<semaphore_mem>>) src(%dma_wait3A_304 : memref<26000x128xf32, #tpu.memory_space<hbm>>) dst(%dma_wait3A_300 : memref<208x128xf32, #tpu.memory_space<vmem>>)
        %dma_wait3A_305 = arith.constant 0 : i32
        %dma_wait3A_306 = arith.constant 0 : i32
        %dma_wait3A_307 = arith.constant 0 : i32
        %dma_wait3A_308 = arith.constant 0 : i32
        %dma_wait3A_309 = tpu.memref_slice %run_scoped3A[%rem3A_227, %dma_wait3A_305, %dma_wait3A_306, %dma_wait3A_307, %dma_wait3A_308] : memref<2x2x26x8x128xf32, #tpu.memory_space<vmem>> -> memref<1x2x26x8x128xf32, #tpu.memory_space<vmem>>
        %dma_wait3A_310 = tpu.memref_squeeze %dma_wait3A_309 : memref<1x2x26x8x128xf32, #tpu.memory_space<vmem>> -> memref<2x26x8x128xf32, #tpu.memory_space<vmem>>
        %dma_wait3A_311 = tpu.memref_reshape %dma_wait3A_310 : memref<2x26x8x128xf32, #tpu.memory_space<vmem>> -> memref<416x128xf32, #tpu.memory_space<vmem>>
        %dma_wait3A_312 = arith.constant 208 : i32
        %dma_wait3A_313 = arith.constant 0 : i32
        %dma_wait3A_314 = tpu.memref_slice %dma_wait3A_311[%dma_wait3A_312, %dma_wait3A_313] : memref<416x128xf32, #tpu.memory_space<vmem>> -> memref<208x128xf32, #tpu.memory_space<vmem>>
        %dma_wait3A_315 = tpu.memref_slice %arg6[%add3A_256] : memref<1664xi32, #tpu.memory_space<vmem>> -> memref<208xi32, #tpu.memory_space<vmem>>
        %dma_wait3A_316 = arith.constant 0 : i32
        %dma_wait3A_317 = arith.constant 0 : i32
        %dma_wait3A_318 = tpu.memref_slice %arg2[%dma_wait3A_316, %dma_wait3A_317] : memref<26000x128xf32, #tpu.memory_space<hbm>> -> memref<26000x128xf32, #tpu.memory_space<hbm>>
        tpu.wait_indirect_dma semaphore(%arg8 : memref<!tpu.dma_semaphore, #tpu.memory_space<semaphore_mem>>) src(%dma_wait3A_318 : memref<26000x128xf32, #tpu.memory_space<hbm>>) dst(%dma_wait3A_314 : memref<208x128xf32, #tpu.memory_space<vmem>>)
        "tpu.trace_stop"() : () -> ()
        %ne3A_319 = arith.cmpi ne, %add3A_176, %add3A_194 : i32
        %or3A_320 = arith.constant false
        %or3A_321 = arith.ori %or3A_320, %ne3A_319 : i1
        %or3A_322 = arith.constant false
        %or3A_323 = arith.ori %or3A_321, %or3A_322 : i1
        %or3A_324 = arith.constant false
        %or3A_325 = arith.ori %or3A_323, %or3A_324 : i1
        %or3A_326 = arith.constant false
        %or3A_327 = arith.ori %or3A_325, %or3A_326 : i1
        %or3A_328 = arith.ori %or3A_327, %eq3A_175 : i1
        %convert_element_type3A_329 = arith.extui %or3A_328 : i1 to i32
        %cond3A_330 = arith.constant 0 : i32
        %cond3A_331 = arith.cmpi ne, %convert_element_type3A_329, %cond3A_330 : i32
        scf.if %cond3A_331 {
          "tpu.trace_start"() <{level = 10 : i32, message = "ep_copy_out"}> : () -> ()
          %rem3A_365 = arith.constant 2 : i32
          %rem3A_366 = arith.remui %scan3A_169, %rem3A_365 : i32
          %mul3A_367 = arith.constant 2 : i32
          %mul3A_368 = arith.muli %mul3A_367, %add3A_176 : i32
          %dma_start3A_369 = arith.constant 0 : i32
          %dma_start3A_370 = arith.constant 0 : i32
          %dma_start3A_371 = arith.constant 0 : i32
          %dma_start3A_372 = arith.constant 0 : i32
          %dma_start3A_373 = tpu.memref_slice %run_scoped3A[%rem3A_366, %dma_start3A_369, %dma_start3A_370, %dma_start3A_371, %dma_start3A_372] : memref<2x2x26x8x128xf32, #tpu.memory_space<vmem>> -> memref<1x2x26x8x128xf32, #tpu.memory_space<vmem>>
          %dma_start3A_374 = tpu.memref_squeeze %dma_start3A_373 : memref<1x2x26x8x128xf32, #tpu.memory_space<vmem>> -> memref<2x26x8x128xf32, #tpu.memory_space<vmem>>
          %dma_start3A_375 = arith.constant 0 : i32
          %dma_start3A_376 = arith.constant 0 : i32
          %dma_start3A_377 = arith.constant 0 : i32
          %dma_start3A_378 = tpu.memref_slice %arg4[%mul3A_368, %dma_start3A_375, %dma_start3A_376, %dma_start3A_377] : memref<2048x26x8x128xf32, #tpu.memory_space<hbm>> -> memref<2x26x8x128xf32, #tpu.memory_space<hbm>>
          %dma_start3A_379 = tpu.memref_slice %run_scoped3A_68[%rem3A_366] : memref<2x!tpu.dma_semaphore, #tpu.memory_space<semaphore_mem>> -> memref<1x!tpu.dma_semaphore, #tpu.memory_space<semaphore_mem>>
          %dma_start3A_380 = tpu.memref_squeeze %dma_start3A_379 : memref<1x!tpu.dma_semaphore, #tpu.memory_space<semaphore_mem>> -> memref<!tpu.dma_semaphore, #tpu.memory_space<semaphore_mem>>
          %dma_start3A_381 = arith.constant 0 : i32
          %dma_start3A_382 = arith.constant 0 : i32
          %dma_start3A_383 = arith.constant 0 : i32
          %dma_start3A_384 = tpu.memref_slice %arg4[%mul3A_368, %dma_start3A_381, %dma_start3A_382, %dma_start3A_383] : memref<2048x26x8x128xf32, #tpu.memory_space<hbm>> -> memref<2x26x8x128xf32, #tpu.memory_space<hbm>>
          %dma_start3A_385 = arith.constant 0 : i32
          %dma_start3A_386 = arith.constant 0 : i32
          %dma_start3A_387 = arith.constant 0 : i32
          %dma_start3A_388 = arith.constant 0 : i32
          %dma_start3A_389 = tpu.memref_slice %run_scoped3A[%rem3A_366, %dma_start3A_385, %dma_start3A_386, %dma_start3A_387, %dma_start3A_388] : memref<2x2x26x8x128xf32, #tpu.memory_space<vmem>> -> memref<1x2x26x8x128xf32, #tpu.memory_space<vmem>>
          %dma_start3A_390 = tpu.memref_squeeze %dma_start3A_389 : memref<1x2x26x8x128xf32, #tpu.memory_space<vmem>> -> memref<2x26x8x128xf32, #tpu.memory_space<vmem>>
          tpu.enqueue_dma source(%dma_start3A_390 : memref<2x26x8x128xf32, #tpu.memory_space<vmem>>) target(%dma_start3A_384 : memref<2x26x8x128xf32, #tpu.memory_space<hbm>>) target_semaphore(%dma_start3A_380 : memref<!tpu.dma_semaphore, #tpu.memory_space<semaphore_mem>>)
          "tpu.trace_stop"() : () -> ()
        } else {
        }
        %and3A_332 = arith.constant true
        %and3A_333 = arith.andi %or3A_328, %and3A_332 : i1
        %add3A_334 = arith.constant 1 : i32
        %add3A_335 = arith.addi %scan3A_169, %add3A_334 : i32
        %select_n3A_336 = arith.select %and3A_333, %add3A_335, %scan3A_169 : i32
        %ne3A_337 = arith.cmpi ne, %add3A_176, %add3A_185 : i32
        %or3A_338 = arith.constant false
        %or3A_339 = arith.ori %or3A_338, %ne3A_337 : i1
        %or3A_340 = arith.constant false
        %or3A_341 = arith.ori %or3A_339, %or3A_340 : i1
        %or3A_342 = arith.constant false
        %or3A_343 = arith.ori %or3A_341, %or3A_342 : i1
        %or3A_344 = arith.constant false
        %or3A_345 = arith.ori %or3A_343, %or3A_344 : i1
        %not3A_346 = arith.constant true
        %not3A_347 = arith.xori %eq3A_173, %not3A_346 : i1
        %and3A_348 = arith.andi %or3A_345, %not3A_347 : i1
        %convert_element_type3A_349 = arith.extui %and3A_348 : i1 to i32
        %cond3A_350 = arith.constant 0 : i32
        %cond3A_351 = arith.cmpi ne, %convert_element_type3A_349, %cond3A_350 : i32
        scf.if %cond3A_351 {
          "tpu.trace_start"() <{level = 10 : i32, message = "ep_wait_out"}> : () -> ()
          %rem3A_365 = arith.constant 2 : i32
          %rem3A_366 = arith.remui %scan3A_170, %rem3A_365 : i32
          %mul3A_367 = arith.constant 2 : i32
          %mul3A_368 = arith.muli %mul3A_367, %add3A_185 : i32
          %dma_wait3A_369 = arith.constant 0 : i32
          %dma_wait3A_370 = arith.constant 0 : i32
          %dma_wait3A_371 = arith.constant 0 : i32
          %dma_wait3A_372 = arith.constant 0 : i32
          %dma_wait3A_373 = tpu.memref_slice %run_scoped3A[%rem3A_366, %dma_wait3A_369, %dma_wait3A_370, %dma_wait3A_371, %dma_wait3A_372] : memref<2x2x26x8x128xf32, #tpu.memory_space<vmem>> -> memref<1x2x26x8x128xf32, #tpu.memory_space<vmem>>
          %dma_wait3A_374 = tpu.memref_squeeze %dma_wait3A_373 : memref<1x2x26x8x128xf32, #tpu.memory_space<vmem>> -> memref<2x26x8x128xf32, #tpu.memory_space<vmem>>
          %dma_wait3A_375 = arith.constant 0 : i32
          %dma_wait3A_376 = arith.constant 0 : i32
          %dma_wait3A_377 = arith.constant 0 : i32
          %dma_wait3A_378 = tpu.memref_slice %arg4[%mul3A_368, %dma_wait3A_375, %dma_wait3A_376, %dma_wait3A_377] : memref<2048x26x8x128xf32, #tpu.memory_space<hbm>> -> memref<2x26x8x128xf32, #tpu.memory_space<hbm>>
          %dma_wait3A_379 = tpu.memref_slice %run_scoped3A_68[%rem3A_366] : memref<2x!tpu.dma_semaphore, #tpu.memory_space<semaphore_mem>> -> memref<1x!tpu.dma_semaphore, #tpu.memory_space<semaphore_mem>>
          %dma_wait3A_380 = tpu.memref_squeeze %dma_wait3A_379 : memref<1x!tpu.dma_semaphore, #tpu.memory_space<semaphore_mem>> -> memref<!tpu.dma_semaphore, #tpu.memory_space<semaphore_mem>>
          %dma_wait3A_381 = arith.constant 0 : i32
          %dma_wait3A_382 = arith.constant 0 : i32
          %dma_wait3A_383 = arith.constant 0 : i32
          %dma_wait3A_384 = tpu.memref_slice %arg4[%mul3A_368, %dma_wait3A_381, %dma_wait3A_382, %dma_wait3A_383] : memref<2048x26x8x128xf32, #tpu.memory_space<hbm>> -> memref<2x26x8x128xf32, #tpu.memory_space<hbm>>
          %dma_wait3A_385 = arith.constant 0 : i32
          %dma_wait3A_386 = arith.constant 0 : i32
          %dma_wait3A_387 = arith.constant 0 : i32
          %dma_wait3A_388 = arith.constant 0 : i32
          %dma_wait3A_389 = tpu.memref_slice %run_scoped3A[%rem3A_366, %dma_wait3A_385, %dma_wait3A_386, %dma_wait3A_387, %dma_wait3A_388] : memref<2x2x26x8x128xf32, #tpu.memory_space<vmem>> -> memref<1x2x26x8x128xf32, #tpu.memory_space<vmem>>
          %dma_wait3A_390 = tpu.memref_squeeze %dma_wait3A_389 : memref<1x2x26x8x128xf32, #tpu.memory_space<vmem>> -> memref<2x26x8x128xf32, #tpu.memory_space<vmem>>
          tpu.wait_dma2 semaphore(%dma_wait3A_380 : memref<!tpu.dma_semaphore, #tpu.memory_space<semaphore_mem>>) src(%dma_wait3A_390 : memref<2x26x8x128xf32, #tpu.memory_space<vmem>>) dst(%dma_wait3A_384 : memref<2x26x8x128xf32, #tpu.memory_space<hbm>>)
          "tpu.trace_stop"() : () -> ()
        } else {
        }
        %and3A_352 = arith.constant true
        %and3A_353 = arith.andi %and3A_348, %and3A_352 : i1
        %add3A_354 = arith.constant 1 : i32
        %add3A_355 = arith.addi %scan3A_170, %add3A_354 : i32
        %select_n3A_356 = arith.select %and3A_353, %add3A_355, %scan3A_170 : i32
        %add3A_357 = arith.constant 1 : i32
        %add3A_358 = arith.addi %scan3A_171, %add3A_357 : i32
        %select_n3A_359 = arith.constant true
        %select_n3A_360 = arith.select %select_n3A_359, %add3A_358, %scan3A_171 : i32
        %eq3A_361 = arith.constant 32 : i32
        %eq3A_362 = arith.cmpi eq, %select_n3A_360, %eq3A_361 : i32
        %select_n3A_363 = arith.constant 0 : i32
        %select_n3A_364 = arith.select %eq3A_362, %select_n3A_363, %select_n3A_360 : i32
        scf.yield %select_n3A_336, %select_n3A_356, %select_n3A_364 : i32, i32, i32
      }
      %scan3A_106 = arith.constant 32 : i32
      %sub3A_107 = arith.constant 1 : i32
      %sub3A_108 = arith.subi %scan3A_105#2, %sub3A_107 : i32
      %select_n3A_109 = arith.constant true
      %select_n3A_110 = arith.select %select_n3A_109, %sub3A_108, %scan3A_105#2 : i32
      %eq3A_111 = arith.constant -1 : i32
      %eq3A_112 = arith.cmpi eq, %select_n3A_110, %eq3A_111 : i32
      %select_n3A_113 = arith.constant 31 : i32
      %select_n3A_114 = arith.select %eq3A_112, %select_n3A_113, %select_n3A_110 : i32
      %add3A_115 = arith.addi %select_n3A_114, %mul3A_67 : i32
      %sub3A_116 = arith.constant 1 : i32
      %sub3A_117 = arith.subi %select_n3A_114, %sub3A_116 : i32
      %select_n3A_118 = arith.constant true
      %select_n3A_119 = arith.select %select_n3A_118, %sub3A_117, %select_n3A_114 : i32
      %eq3A_120 = arith.constant -1 : i32
      %eq3A_121 = arith.cmpi eq, %select_n3A_119, %eq3A_120 : i32
      %select_n3A_122 = arith.constant 31 : i32
      %select_n3A_123 = arith.select %eq3A_121, %select_n3A_122, %select_n3A_119 : i32
      %add3A_124 = arith.addi %select_n3A_123, %mul3A_67 : i32
      %add3A_125 = arith.constant 1 : i32
      %add3A_126 = arith.addi %select_n3A_114, %add3A_125 : i32
      %select_n3A_127 = arith.constant true
      %select_n3A_128 = arith.select %select_n3A_127, %add3A_126, %select_n3A_114 : i32
      %eq3A_129 = arith.constant 32 : i32
      %eq3A_130 = arith.cmpi eq, %select_n3A_128, %eq3A_129 : i32
      %select_n3A_131 = arith.constant 0 : i32
      %select_n3A_132 = arith.select %eq3A_130, %select_n3A_131, %select_n3A_128 : i32
      %add3A_133 = arith.addi %select_n3A_132, %mul3A_67 : i32
      %add3A_134 = arith.constant 1 : i32
      %add3A_135 = arith.addi %select_n3A_132, %add3A_134 : i32
      %select_n3A_136 = arith.constant true
      %select_n3A_137 = arith.select %select_n3A_136, %add3A_135, %select_n3A_132 : i32
      %eq3A_138 = arith.constant 32 : i32
      %eq3A_139 = arith.cmpi eq, %select_n3A_137, %eq3A_138 : i32
      %select_n3A_140 = arith.constant 0 : i32
      %select_n3A_141 = arith.select %eq3A_139, %select_n3A_140, %select_n3A_137 : i32
      %add3A_142 = arith.addi %select_n3A_141, %mul3A_67 : i32
      "tpu.trace_start"() <{level = 10 : i32, message = "ep_finalize"}> : () -> ()
      %rem3A_143 = arith.constant 2 : i32
      %rem3A_144 = arith.remui %scan3A_105#1, %rem3A_143 : i32
      %mul3A_145 = arith.constant 2 : i32
      %mul3A_146 = arith.muli %mul3A_145, %add3A_115 : i32
      %dma_wait3A = arith.constant 0 : i32
      %dma_wait3A_147 = arith.constant 0 : i32
      %dma_wait3A_148 = arith.constant 0 : i32
      %dma_wait3A_149 = arith.constant 0 : i32
      %dma_wait3A_150 = tpu.memref_slice %run_scoped3A[%rem3A_144, %dma_wait3A, %dma_wait3A_147, %dma_wait3A_148, %dma_wait3A_149] : memref<2x2x26x8x128xf32, #tpu.memory_space<vmem>> -> memref<1x2x26x8x128xf32, #tpu.memory_space<vmem>>
      %dma_wait3A_151 = tpu.memref_squeeze %dma_wait3A_150 : memref<1x2x26x8x128xf32, #tpu.memory_space<vmem>> -> memref<2x26x8x128xf32, #tpu.memory_space<vmem>>
      %dma_wait3A_152 = arith.constant 0 : i32
      %dma_wait3A_153 = arith.constant 0 : i32
      %dma_wait3A_154 = arith.constant 0 : i32
      %dma_wait3A_155 = tpu.memref_slice %arg4[%mul3A_146, %dma_wait3A_152, %dma_wait3A_153, %dma_wait3A_154] : memref<2048x26x8x128xf32, #tpu.memory_space<hbm>> -> memref<2x26x8x128xf32, #tpu.memory_space<hbm>>
      %dma_wait3A_156 = tpu.memref_slice %run_scoped3A_68[%rem3A_144] : memref<2x!tpu.dma_semaphore, #tpu.memory_space<semaphore_mem>> -> memref<1x!tpu.dma_semaphore, #tpu.memory_space<semaphore_mem>>
      %dma_wait3A_157 = tpu.memref_squeeze %dma_wait3A_156 : memref<1x!tpu.dma_semaphore, #tpu.memory_space<semaphore_mem>> -> memref<!tpu.dma_semaphore, #tpu.memory_space<semaphore_mem>>
      %dma_wait3A_158 = arith.constant 0 : i32
      %dma_wait3A_159 = arith.constant 0 : i32
      %dma_wait3A_160 = arith.constant 0 : i32
      %dma_wait3A_161 = tpu.memref_slice %arg4[%mul3A_146, %dma_wait3A_158, %dma_wait3A_159, %dma_wait3A_160] : memref<2048x26x8x128xf32, #tpu.memory_space<hbm>> -> memref<2x26x8x128xf32, #tpu.memory_space<hbm>>
      %dma_wait3A_162 = arith.constant 0 : i32
      %dma_wait3A_163 = arith.constant 0 : i32
      %dma_wait3A_164 = arith.constant 0 : i32
      %dma_wait3A_165 = arith.constant 0 : i32
      %dma_wait3A_166 = tpu.memref_slice %run_scoped3A[%rem3A_144, %dma_wait3A_162, %dma_wait3A_163, %dma_wait3A_164, %dma_wait3A_165] : memref<2x2x26x8x128xf32, #tpu.memory_space<vmem>> -> memref<1x2x26x8x128xf32, #tpu.memory_space<vmem>>
      %dma_wait3A_167 = tpu.memref_squeeze %dma_wait3A_166 : memref<1x2x26x8x128xf32, #tpu.memory_space<vmem>> -> memref<2x26x8x128xf32, #tpu.memory_space<vmem>>
      tpu.wait_dma2 semaphore(%dma_wait3A_157 : memref<!tpu.dma_semaphore, #tpu.memory_space<semaphore_mem>>) src(%dma_wait3A_167 : memref<2x26x8x128xf32, #tpu.memory_space<vmem>>) dst(%dma_wait3A_161 : memref<2x26x8x128xf32, #tpu.memory_space<hbm>>)
      "tpu.trace_stop"() : () -> ()
      tpu.yield
    }) : () -> ()
    return
  }
}

</mosaic_0001>

<sc_bundles>
// kernel: kernel.3.cloned.1.call-start
scs
__scs_entry_jumppad:
0x0: {  	(pc) =	sbr.rel $0x88, $3  }
0x1: {  	(tag) =	ssettag $0x0;
	lr =	simm.s32 $0x1  }
0x2: {  	[smem:$0x3F9F] =	sst lr;
	_ =	strace $0xD0000000  }
0x3: {  	_ = 	snop  }
0x4: {  	_ = 	snop  }
0x5: {  	_ = 	snop  }
0x6: {  	_ = 	snop  }
0x7: {  	_ = 	snop  }
__scs_overlays_trampoline_lowered:
0x8: {  	[smem:$0x3FAE] =	sst s0  }
0x9: {  	[smem:$0x3FAF] =	sst s1  }
0xa: {  	[smem:$0x3FB0] =	sst s2  }
0xb: {  	[smem:$0x3FB1] =	sst s3  }
0xc: {  	[smem:$0x3FB2] =	sst s4  }
0xd: {  	[smem:$0x3FB3] =	sst s5  }
0xe: {  	[smem:$0x3FB4] =	sst s6  }
0xf: {  	[smem:$0x3FB5] =	sst s7  }
0x10: {  	[smem:$0x3FB6] =	sst s8  }
0x11: {  	[smem:$0x3FB7] =	sst s9;
	s0 =	simm.s32 @!p0 $0x0  }
0x12: {  	s1 =	sld [smem:$0x3F9D];
	s0 =	simm.s32 @p0 $0x1  }
0x13: {  	[smem:$0x3FB8] =	sst s0;
	s0 =	simm.s32 @!p1 $0x0  }
0x14: {  	s2 =	sld [smem:$0x3F9C];
	s0 =	simm.s32 @p1 $0x1  }
0x15: {  	[smem:$0x3FB9] =	sst s0;
	s0 =	simm.s32 @!p2 $0x0  }
0x16: {  	s3 =	sld [smem:$0x3FDB];
	s0 =	simm.s32 @p2 $0x1  }
0x17: {  	s4 =	simm.s32 $0x1BF5;
	[smem:$0x3FBB] =	sst s0  }
0x18: {  	s0 =	sld [smem:$0x3F9E];
	_ =	swait.ge [sflag:s4], $0x0  }
0x19: {  	s7 =	sld [smem:$0x3F9F]  }
0x1a: {  	s8 =	sadd.s32 $0xFFFFE003, lr  }
0x1b: {  	s9 =	sadd.s32 $0xFFFFFEF7, lr;
	s5 =	simm.s32 $0xFFFFFFFF;
	p2 =	slt.u32 s8, $0xFFFFF086  }
0x1c: {  	p1 =	slt.u32 s9, $0xF7A;
	s5 =	simm.s32 @!p2 $0x0  }
0x1d: {  	s5 =	simm.s32 @p1 $0x1;
	p0 =	seq.s32 s7, s2  }
0x1e: {  	s7 =	smul.u32 @!p0 $0xF7A, s2;
	p2 =	seq.s32 @!p0 s5, $0x0  }
0x1f: {  	s9 =	smul.u32 $0xF7A, s1;
	s8 =	simm.s32 @!p0 $0x1BF5;
	p2 =	por !p2, p0  }
0x20: {  	[sflag:s8] =	ssyncset.s32 @!p0 $0xFFFFF086;
	s6 =	sadd.s32 @!p0 s3, s7;
	s7 =	simm.s32 @!p0 $0x108  }
0x21: {  	s3 =	sadd.s32 s3, s9;
	s6 =	sadd.s32 @!p0 $0x88, s6;
	s7 =	simm.s32 @p2 $0x1082  }
0x22: {  	[simem:s7], [sflag:s8] =	dma.local @!p0 [hbm:s6], $0xF7A  }
0x23: {  	s9 =	sor.u32 $0xD0000000, s2;
	s6 =	simm.s32 $0x108;
	_ =	swait.ge @!p0 [sflag:s8], $0x0  }
0x24: {  	s3 =	sadd.s32 $0x88, s3;
	s6 =	simm.s32 @!p1 $0x1082;
	[sflag:s4] =	ssyncset.s32 $0xFFFFF086  }
0x25: {  	[simem:s6], [sflag:s4] =	dma.local [hbm:s3], $0xF7A  }
0x26: {  	[smem:$0x3F9F] =	sst s1;
	(tag) =	ssettag s2;
	_ =	strace s9  }
0x27: {  	s1 =	sld [smem:$0x3FAF]  }
0x28: {  	s2 =	sld [smem:$0x3FB0]  }
0x29: {  	s4 =	sld [smem:$0x3FB2]  }
0x2a: {  	p0 =	seq.s32 s5, $0x0;
	s5 =	sld [smem:$0x3FB3]  }
0x2b: {  	s6 =	sld [smem:$0x3FB4]  }
0x2c: {  	s7 =	sld [smem:$0x3FB5]  }
0x2d: {  	s3 =	simm.s32 $0x108;
	s8 =	sld [smem:$0x3FB6]  }
0x2e: {  	s3 =	simm.s32 @!p0 $0x1082;
	s9 =	sld [smem:$0x3FB7]  }
0x2f: {  	lr =	sadd.s32 s0, s3;
	s0 =	sld [smem:$0x3FAE]  }
0x30: {  	s3 =	sld [smem:$0x3FB1]  }
0x31: {  	[smem:$0x3FBA] =	sst s10  }
0x32: {  	s10 =	sld [smem:$0x3FB8];
	_ =	sdelay $0x3  }
0x33: {  	p0 =	seq.s32 s10, $0x1;
	s10 =	sld [smem:$0x3FBA];
	_ =	sdelay $0x3  }
0x34: {  	[smem:$0x3FBA] =	sst s10  }
0x35: {  	s10 =	sld [smem:$0x3FB9];
	_ =	sdelay $0x3  }
0x36: {  	p1 =	seq.s32 s10, $0x1;
	s10 =	sld [smem:$0x3FBA];
	_ =	sdelay $0x3  }
0x37: {  	[smem:$0x3FBA] =	sst s10  }
0x38: {  	s10 =	sld [smem:$0x3FBB]  }
0x39: {  	_ = 	snop;
	(pc) =	sbr.ind lr, $3  }
0x3a: {  	_ = 	snop  }
0x3b: {  	_ = 	snop  }
0x3c: {  	p2 =	seq.s32 s10, $0x1;
	s10 =	sld [smem:$0x3FBA]  }
0x3d: {  	_ =	shalt  }
0x3e: {  	_ =	shalt  }
0x3f: {  	_ =	shalt  }
0x40: {  	_ =	shalt  }
0x41: {  	_ =	shalt  }
0x42: {  	_ =	shalt  }
0x43: {  	_ =	shalt  }
0x44: {  	_ =	shalt  }
0x45: {  	_ =	shalt  }
0x46: {  	_ =	shalt  }
0x47: {  	_ =	shalt  }
0x48: {  	_ =	shalt  }
0x49: {  	_ =	shalt  }
0x4a: {  	_ =	shalt  }
0x4b: {  	_ =	shalt  }
0x4c: {  	_ =	shalt  }
0x4d: {  	_ =	shalt  }
0x4e: {  	_ =	shalt  }
0x4f: {  	_ =	shalt  }
0x50: {  	_ =	shalt  }
0x51: {  	_ =	shalt  }
0x52: {  	_ =	shalt  }
0x53: {  	_ =	shalt  }
0x54: {  	_ =	shalt  }
0x55: {  	_ =	shalt  }
0x56: {  	_ =	shalt  }
0x57: {  	_ =	shalt  }
0x58: {  	_ =	shalt  }
0x59: {  	_ =	shalt  }
0x5a: {  	_ =	shalt  }
0x5b: {  	_ =	shalt  }
0x5c: {  	_ =	shalt  }
0x5d: {  	_ =	shalt  }
0x5e: {  	_ =	shalt  }
0x5f: {  	_ =	shalt  }
0x60: {  	_ =	shalt  }
0x61: {  	_ =	shalt  }
0x62: {  	_ =	shalt  }
0x63: {  	_ =	shalt  }
0x64: {  	_ =	shalt  }
0x65: {  	_ =	shalt  }
0x66: {  	_ =	shalt  }
0x67: {  	_ =	shalt  }
0x68: {  	_ =	shalt  }
0x69: {  	_ =	shalt  }
0x6a: {  	_ =	shalt  }
0x6b: {  	_ =	shalt  }
0x6c: {  	_ =	shalt  }
0x6d: {  	_ =	shalt  }
0x6e: {  	_ =	shalt  }
0x6f: {  	_ =	shalt  }
0x70: {  	_ =	shalt  }
0x71: {  	_ =	shalt  }
0x72: {  	_ =	shalt  }
0x73: {  	_ =	shalt  }
0x74: {  	_ =	shalt  }
0x75: {  	_ =	shalt  }
0x76: {  	_ =	shalt  }
0x77: {  	_ =	shalt  }
0x78: {  	_ =	shalt  }
0x79: {  	_ =	shalt  }
0x7a: {  	_ =	shalt  }
0x7b: {  	_ =	shalt  }
0x7c: {  	_ =	shalt  }
0x7d: {  	_ =	shalt  }
0x7e: {  	_ =	shalt  }
0x7f: {  	_ =	shalt  }
0x80: {  	_ =	shalt  }
0x81: {  	_ =	shalt  }
0x82: {  	_ =	shalt  }
0x83: {  	_ =	shalt  }
0x84: {  	_ =	shalt  }
0x85: {  	_ =	shalt  }
0x86: {  	_ =	shalt  }
0x87: {  	_ =	shalt  }
.Lfunc_end0:
.L_simem_size_0:
called_computation_lowered:
.L_overlay_start_0:
0x88: {  	s2 =	sld [smem:$0x3FD9]  }
0x89: {  	s3 =	sld [smem:$0x3FFE];
	_ =	sdelay $0x1  }
0x8a: {  	s1 =	srdreg.scid  }
0x8b: {  	s0 =	sand.u32 $0x1, s1  }
0x8c: {  	s17 =	sshll.u32 s0, $0xA;
	s2 =	sadd.s32 s3, s2  }
0x8d: {  	s2 =	sadd.s32 s2, s17  }
0x8e: {  	[smem:$0x3FC6] =	sst s2  }
0x8f: {  	_ = 	snop  }
0x90: {  	s2 =	sld [smem:$0x3FC8]  }
0x91: {  	s18 =	sld [smem:$0x3FD0];
	(tm) =	ssettm $0x1  }
0x92: {  	s4 =	sld [smem:$0x3FFB];
	_ =	sdelay $0x3  }
0x93: {  	_ =	strace s4  }
0x94: {  	s4 =	sld [smem:$0x3FFC];
	_ =	sdelay $0x3  }
0x95: {  	_ =	strace s4  }
0x96: {  	s4 =	sld [smem:$0x3FFD];
	_ =	sdelay $0x3  }
0x97: {  	_ =	strace s4  }
0x98: {  	_ =	strace $0x8FFFFFFF  }
0x99: {  	s19 =	sld [smem:$0x3FDB];
	_ =	sdelay $0x1  }
0x9a: {  	s5 =	simm.s32 $_scs_section_size  }
0x9b: {  	s6 =	simm.s32 $_size__tile_overlayer_lowered;
	s7 =	simm.s32 $_tile_overlayer_lowered  }
0x9c: {  	s22 =	simm.s32 $0x1BFF;
	s21 =	sshll.u32 s7, $0x1;
	s4 =	sadd.s32 s5, s19  }
0x9d: {  	s8 =	simm.s32 $0x0;
	s20 =	sshll.u32 s6, $0x1;
	s6 =	sadd.s32 s21, s4  }
0x9e: {  	[timem:s8], [sflag:s22] =	dma.local [hbm:s6], s20  }
0x9f: {  	_ =	swait.ge [sflag:s22], s20  }
0xa0: {  	s5 =	ssub.s32 $0x0, s20;
	[sflag:s22] =	ssyncset.done $0x0  }
0xa1: {  	[sflag:s22] =	ssyncadd.s32 s5;
	_ =	sdelay $0x1  }
0xa2: {  	s23 =	simm.s32 $0x1B8B  }
0xa3: {  	_ =	swait.ge [sflag:s23], $0x1  }
0xa4: {  	[sflag:s23] =	ssyncset.done $0x0  }
0xa5: {  	s25 =	simm.s32 $0x1B8E;
	s24 =	sld [smem:$0x3FFE];
	[sflag:s23] =	ssyncadd.s32 $0xFFFFFFFF  }
0xa6: {  	s26 =	simm.s32 $execute0_lowered;
	[smem:$0x3FD2] =	sst s25  }
0xa7: {  	s6 =	sshll.u32 s26, $0x1;
	_ =	strace $0x80000046;
	[dreg:$0x1] =	wrdreg $0xFFFFFFFF  }
0xa8: {  	s28 =	simm.s32 $_size_execute0_lowered;
	s4 =	sadd.s32 s4, s6;
	[dreg:$0x0] =	wrdreg $0x0  }
0xa9: {  	s6 =	sshll.u32 s28, $0x1;
	[dreg:$0x2] =	wrdreg s4  }
0xaa: {  	[dreg:$0x3] =	wrdreg s6  }
0xab: {  	[dreg:$0x4] =	wrdreg $0xC0  }
0xac: {  	_ =	task [dreg:s8], $0x5FFFF  }
0xad: {  	[dreg:$0x1] =	wrdreg $0xFFFFFFFF  }
0xae: {  	[dreg:$0x0] =	wrdreg $0x60  }
0xaf: {  	[dreg:$0x2] =	wrdreg s2  }
0xb0: {  	[dreg:$0x3] =	wrdreg s24  }
0xb1: {  	[dreg:$0x4] =	wrdreg s18  }
0xb2: {  	[dreg:$0x5] =	wrdreg $0x9  }
0xb3: {  	_ =	task.clear_ibuf [dreg:s8], $0x6FFFF;
	_ =	strace $0x90000046  }
0xb4: {  	s29 =	simm.s32 $0x9;
	_ =	strace $0x8000004C  }
0xb5: {  	_ =	swait.ge [sflag:s29], $0x1  }
0xb6: {  	[sflag:s29] =	ssyncadd.s32 $0xFFFFFFFF  }
0xb7: {  	_ =	strace $0x9000004C  }
0xb8: {  	_ =	sfence  }
0xb9: {  	s30 =	sld [smem:$0x0];
	_ =	sdelay $0x2  }
0xba: {  	s31 =	sshll.u32 s1, $0xD;
	s1 =	sshrl.u32 s1, $0x2  }
0xbb: {  	s3 =	sand.u32 $0x4000, s31;
	s1 =	sadd.s32 s1, s30  }
0xbc: {  	s0 =	sor.u32 s3, s0;
	s1 =	sshll.u32 s1, $0x11  }
0xbd: {  	s0 =	sor.u32 s1, s0  }
0xbe: {  	s0 =	sadd.s32 $0x8F2B, s0  }
0xbf: {  	[sflag:s0] =	ssyncadd.remote.s32 $0x1  }
0xc0: {  	_ =	sfence.sel $0xFFFF  }
0xc1: {  	[dreg:$0x0] =	wrdreg $0xFFFFFFFF;
	(pc) =	sbr.abs _section_cstart, $3  }
0xc2: {  	[dreg:$0x1] =	wrdreg $0xFFFFFFFF  }
0xc3: {  	_ =	task.clear_ibuf [dreg:s8], $0x2FFFF;
	_ =	strace $0x9FFFFFFF  }
0xc4: {  	(tm) =	ssettm $0x7FFFFFFF  }
0xc5: {  	_ =	shalt  }
tec
execute0_lowered:
.L_overlay_start_1:
0x0: {  	(tag) =	ssettag $0x1  }
0x1: {  	s0 =	rddreg [dreg:$0x0]  }
0x2: {  	s5 =	rddreg [dreg:$0x1]  }
0x3: {  	s3 =	rddreg [dreg:$0x2]  }
0x4: {  	s1 =	srdreg.scid;
	v0 =	vimm.s32 $0x4F351B01;
	s2 =	rddreg [dreg:$0x3];
	v1 =	vimm.s32 $0xB79D8369;
	s10 =	simm.s32 $0x1  }
0x5: {  	v2 =	vimm.s32 $0x4E341A00;
	v3 =	vimm.s32 $0xB69C8268;
	s11 =	simm.s32 $0x2;
	s12 =	simm.s32 $0x4;
	s6 =	sand.u32 $0x1, s1;
	v0 =	vunpack.c.0.s8.s32 v0  }
0x6: {  	s13 =	simm.s32 $0x0;
	s1 =	stileid.u32;
	v1 =	vunpack.c.0.s8.s32 v1;
	v2 =	vunpack.c.0.s8.s32 v2;
	v3 =	vunpack.c.0.s8.s32 v3;
	s4 =	sshll.u32 s6, $0x4  }
.Ltmp0:
0x7: {  	vm0 =	vcmask $0x1F10;
	s6 =	ssub.s32 $0x2, s6;
	s7 =	sor.u32 s1, s4;
	(pc) =	sbr.rel .LBB2_1-.Ltmp0, $4  }
0x8: {  	s4 =	simm.s32 $0x0;
	s9 =	sshrl.u32 s6, $0x1;
	v0 =	vsel vm0, v1, v0;
	v1 =	vsel vm0, v3, v2;
	s8 =	smul.u32 $0x680, s7  }
0x9: {  	[smem:$0x7FF] =	sst s4;
	s31 =	ssub.s32 s6, s9;
	s6 =	sshll.u32 s7, $0x5;
	v0 =	vcombine.low v1, v0  }
0xa: {  	s9 =	simm.s32 $0xD0;
	_ =	strace $0x80000047;
	s5 =	sadd.s32 s8, s5  }
0xb: {  	s7 =	smax.u32 s31, $0x1;
	s8 =	simm.s32 $0x3;
	v0 =	vand.u32 $0xFF, v0;
	s5 =	sadd.s32 $0x400, s5  }
.LBB2_31:
0xc: {  	s13 =	sadd.s32 $0x1, s13  }
0xd: {  	p0 =	sne.s32 s13, s7  }
.Ltmp1:
0xe: {  	_ =	strace $0x8000004B;
	(pc) =	sbr.rel @!p0 .LBB2_32-.Ltmp1, $4  }
0xf: {  	_ =	swait.ge [sflag:s12], $0xD000  }
0x10: {  	[sflag:s12] =	ssyncset.done $0x0  }
0x11: {  	[sflag:s12] =	ssyncadd.s32 $0xFFFF3000  }
0x12: {  	_ =	strace $0x9000004B  }
.LBB2_1:
0x13: {  	v1 =	vadd.s32 s4, v0  }
0x14: {  	[tilespmem:s4], [sflag:$0x3] =	stream.linear.gather [hbm4b:s5+s4], $0x3400, $0x38;
	[tilespmem:$0x1DA80] =	vst v63  }
0x15: {  	_ =	swait.ge [sflag:s8], $0x3400  }
0x16: {  	[sflag:s8] =	ssyncset.done $0x0  }
0x17: {  	[sflag:s8] =	ssyncadd.s32 $0xFFFFCC00  }
0x18: {  	s14 =	simm.s32 $0x2;
	v1 =	vld.idx.msk [tilespmem:v1+s4+$0x0], $0xffff  }
0x19: {  	v2 =	vadd.s32 s14, v0;
	_ =	sdelay $0x2  }
0x1a: {  	s15 =	simm.s32 $0x3400  }
0x1b: {  	[tilespmem:s15+$0x0] =	vst v1  }
0x1c: {  	s31 =	simm.s32 $0x4;
	v1 =	vld.idx.msk [tilespmem:v2+s4+$0x0], $0xffff  }
0x1d: {  	s16 =	simm.s32 $0x6;
	v2 =	vadd.s32 s31, v0  }
.LBB2_2:
0x1e: {  	p0 =	sne.s32 s16, $0x18;
	_ =	sdelay $0x1  }
.Ltmp2:
0x1f: {  	s15 =	sadd.s32 $0x10, s15;
	(pc) =	sbr.rel @p0 .LBB2_2-.Ltmp2, $3  }
0x20: {  	s14 =	simm.s32 $0x0;
	[tilespmem:s15+$0x0] =	vst v1  }
0x21: {  	v1 =	vld.idx.msk [tilespmem:v2+s14+$0x0], $0xffff;
	_ =	sdelay $0x1  }
0x22: {  	v2 =	vadd.s32 s16, v0;
	s16 =	sadd.s32 $0x2, s16  }
0x23: {  	_ =	sdelay $0x1  }
0x24: {  	s15 =	sadd.s32 $0x10, s15  }
0x25: {  	[tilespmem:s15+$0x0] =	vst v1  }
0x26: {  	p1 =	por $0x1, $0x1;
	v2 =	vld.idx.msk [tilespmem:v2+s14+$0x0], $0xffff  }
.Ltmp3:
0x27: {  	_ = 	snop;
	(pc) =	sbr.rel @!p1 .LBB2_9-.Ltmp3, $4  }
0x28: {  	_ = 	snop  }
0x29: {  	s16 =	simm.s32 $0x34D0  }
0x2a: {  	p2 =	por $0x0, $0x0;
	p0 =	por $0x0, $0x0;
	s17 =	sadd.s32 $0x10, s15;
	v1 =	vmov s14  }
0x2b: {  	p3 =	por $0x0, $0x0;
	s15 =	simm.s32 $0x2;
	v4 =	vmov v1;
	[tilespmem:s17+$0x0] =	vst v2;
	s17 =	simm.s32 $0x34D0  }
0x2c: {  	p3 =	por $0x1, $0x1  }
.Ltmp4:
0x2d: {  	_ = 	snop;
	(pc) =	sbr.rel @!p3 .LBB2_5-.Ltmp4, $3  }
0x2e: {  	v2 =	vadd.s32 $0xD0, v1  }
0x2f: {  	v2 =	vbroadcast v2, $0x0;
	_ =	sdelay $0x1  }
0x30: {  	v4 =	vmov s15;
	s17 =	simm.s32 $0x4;
	p2 =	por $0x1, $0x1;
	v2 =	vadd.s32 v0, v2  }
0x31: {  	_ =	sdelay $0x1  }
0x32: {  	v3 =	vadd.s32 $0xD0, v4  }
0x33: {  	p4 =	por $0x1, $0x1;
	v4 =	vbroadcast v3, $0x0  }
.Ltmp5:
0x34: {  	v3 =	vld.idx.msk [tilespmem:v2+s14+$0x0], $0xffff;
	(pc) =	sbr.rel @!p4 .LBB2_7-.Ltmp5, $2  }
0x35: {  	v2 =	vadd.s32 v0, v4;
	_ =	sdelay $0x2  }
0x36: {  	s18 =	simm.s32 $0x6;
	p3 =	por $0x1, $0x1;
	v4 =	vmov s17;
	s17 =	simm.s32 $0x34D0  }
.LBB2_8:
0x37: {  	p4 =	sne.s32 s18, $0x18;
	v4 =	vadd.s32 $0xD0, v4;
	[tilespmem:s17+$0x0] =	vst v3  }
0x38: {  	v4 =	vbroadcast v4, $0x0;
	v3 =	vld.idx.msk [tilespmem:v2+s14+$0x0], $0xffff  }
.Ltmp6:
0x39: {  	(pc) =	sbr.rel @p4 .LBB2_8-.Ltmp6, $2  }
0x3a: {  	v2 =	vadd.s32 v0, v4;
	_ =	sdelay $0x2  }
0x3b: {  	s17 =	sadd.s32 $0x10, s17;
	v4 =	vmov s18;
	s18 =	sadd.s32 $0x2, s18  }
.LBB2_9:
0x3c: {  	_ =	sdelay $0x2  }
0x3d: {  	v4 =	vadd.s32 $0xD0, v4;
	[tilespmem:s17+$0x0] =	vst @p3 v3  }
0x3e: {  	v3 =	vbroadcast v4, $0x0;
	v2 =	vld.idx.msk @p2 [tilespmem:v2+s14+$0x0], $0xffff;
	_ =	sdelay $0x1  }
0x3f: {  	v3 =	vadd.s32 v0, v3;
	_ =	sdelay $0x1  }
0x40: {  	s17 =	sadd.s32 @p3 $0x10, s17;
	s18 =	simm.s32 $0x34D0  }
0x41: {  	s18 =	smov.u32 @p3 s17;
	v2 =	vpsel p2, v2, v0  }
0x42: {  	[tilespmem:s18+$0x0] =	vst @p2 v2  }
0x43: {  	v2 =	vld.idx.msk [tilespmem:v3+s14+$0x0], $0xffff  }
.Ltmp7:
0x44: {  	_ = 	snop;
	(pc) =	sbr.rel @!p1 .LBB2_10-.Ltmp7, $4  }
0x45: {  	_ = 	snop  }
0x46: {  	s14 =	sadd.s32 @p2 $0x10, s18  }
0x47: {  	s16 =	smov.u32 @p2 s14  }
0x48: {  	[tilespmem:s16+$0x0] =	vst v2;
	s16 =	simm.s32 $0x35A0  }
0x49: {  	p2 =	por $0x1, $0x1  }
.Ltmp8:
0x4a: {  	_ = 	snop;
	(pc) =	sbr.rel @!p2 .LBB2_12-.Ltmp8, $3  }
0x4b: {  	v1 =	vadd.s32 $0x1A0, v1  }
0x4c: {  	v1 =	vbroadcast v1, $0x0;
	_ =	sdelay $0x1  }
0x4d: {  	s14 =	simm.s32 $0x4;
	p1 =	por $0x1, $0x1;
	v2 =	vadd.s32 v0, v1;
	v1 =	vmov s15  }
0x4e: {  	_ =	sdelay $0x1  }
0x4f: {  	v1 =	vadd.s32 $0x1A0, v1  }
0x50: {  	s15 =	simm.s32 $0x0;
	p2 =	por $0x1, $0x1;
	v1 =	vbroadcast v1, $0x0  }
.Ltmp9:
0x51: {  	v3 =	vld.idx.msk [tilespmem:v2+s15+$0x0], $0xffff;
	(pc) =	sbr.rel @!p2 .LBB2_14-.Ltmp9, $2  }
0x52: {  	v2 =	vadd.s32 v0, v1;
	_ =	sdelay $0x2  }
0x53: {  	s17 =	simm.s32 $0x6;
	p0 =	por $0x1, $0x1;
	v1 =	vmov s14;
	s14 =	simm.s32 $0x35A0  }
.LBB2_15:
0x54: {  	p2 =	sne.s32 s17, $0x18;
	v1 =	vadd.s32 $0x1A0, v1;
	[tilespmem:s14+$0x0] =	vst v3  }
0x55: {  	v1 =	vbroadcast v1, $0x0;
	v3 =	vld.idx.msk [tilespmem:v2+s15+$0x0], $0xffff  }
.Ltmp10:
0x56: {  	(pc) =	sbr.rel @p2 .LBB2_15-.Ltmp10, $2  }
0x57: {  	v2 =	vadd.s32 v0, v1;
	_ =	sdelay $0x2  }
0x58: {  	s14 =	sadd.s32 $0x10, s14;
	v1 =	vmov s17;
	s17 =	sadd.s32 $0x2, s17  }
.LBB2_16:
0x59: {  	_ =	sdelay $0x2  }
0x5a: {  	v1 =	vadd.s32 $0x1A0, v1;
	s15 =	simm.s32 @p1 $0x0;
	[tilespmem:s14+$0x0] =	vst @p0 v3  }
0x5b: {  	v1 =	vbroadcast v1, $0x0;
	v2 =	vld.idx.msk @p1 [tilespmem:v2+s15+$0x0], $0xffff;
	_ =	sdelay $0x1  }
0x5c: {  	v1 =	vadd.s32 v0, v1;
	_ =	sdelay $0x1  }
0x5d: {  	s14 =	sadd.s32 @p0 $0x10, s14;
	s15 =	simm.s32 $0x35A0  }
0x5e: {  	s15 =	smov.u32 @p0 s14;
	v2 =	vpsel p1, v2, v0  }
0x5f: {  	s14 =	simm.s32 $0x0;
	[tilespmem:s15+$0x0] =	vst @p1 v2  }
0x60: {  	p2 =	por $0x1, $0x1;
	v1 =	vld.idx.msk [tilespmem:v1+s14+$0x0], $0xffff  }
.Ltmp11:
0x61: {  	_ = 	snop;
	(pc) =	sbr.rel @!p2 .LBB2_17-.Ltmp11, $4  }
0x62: {  	_ = 	snop  }
0x63: {  	s15 =	sadd.s32 @p1 $0x10, s15  }
0x64: {  	p0 =	por $0x0, $0x0;
	s16 =	smov.u32 @p1 s15  }
0x65: {  	v2 =	vmov s14;
	s15 =	simm.s32 $0x3670;
	p1 =	por $0x0, $0x0;
	[tilespmem:s16+$0x0] =	vst v1;
	s16 =	simm.s32 $0x2  }
0x66: {  	p2 =	por $0x1, $0x1  }
.Ltmp12:
0x67: {  	_ = 	snop;
	(pc) =	sbr.rel @!p2 .LBB2_19-.Ltmp12, $3  }
0x68: {  	v1 =	vadd.s32 $0x270, v2  }
0x69: {  	v1 =	vbroadcast v1, $0x0;
	_ =	sdelay $0x1  }
0x6a: {  	v2 =	vmov s16;
	s16 =	simm.s32 $0x4;
	p0 =	por $0x1, $0x1;
	v1 =	vadd.s32 v0, v1  }
0x6b: {  	_ =	sdelay $0x1  }
0x6c: {  	v2 =	vadd.s32 $0x270, v2  }
0x6d: {  	p2 =	por $0x1, $0x1;
	v2 =	vbroadcast v2, $0x0  }
.Ltmp13:
0x6e: {  	v3 =	vld.idx.msk [tilespmem:v1+s4+$0x0], $0xffff;
	(pc) =	sbr.rel @!p2 .LBB2_21-.Ltmp13, $2  }
0x6f: {  	v1 =	vadd.s32 v0, v2;
	_ =	sdelay $0x2  }
0x70: {  	s17 =	simm.s32 $0x6;
	p1 =	por $0x1, $0x1;
	v2 =	vmov s16;
	s16 =	simm.s32 $0x3670  }
.LBB2_22:
0x71: {  	p2 =	sne.s32 s17, $0x18;
	v2 =	vadd.s32 $0x270, v2;
	[tilespmem:s16+$0x0] =	vst v3  }
0x72: {  	v2 =	vbroadcast v2, $0x0;
	v3 =	vld.idx.msk [tilespmem:v1+s4+$0x0], $0xffff  }
.Ltmp14:
0x73: {  	(pc) =	sbr.rel @p2 .LBB2_22-.Ltmp14, $2  }
0x74: {  	v1 =	vadd.s32 v0, v2;
	_ =	sdelay $0x2  }
0x75: {  	s16 =	sadd.s32 $0x10, s16;
	v2 =	vmov s17;
	s17 =	sadd.s32 $0x2, s17  }
.LBB2_23:
0x76: {  	_ =	sdelay $0x2  }
0x77: {  	v2 =	vadd.s32 $0x270, v2;
	[tilespmem:s16+$0x0] =	vst @p1 v3  }
0x78: {  	v2 =	vbroadcast v2, $0x0;
	v1 =	vld.idx.msk @p0 [tilespmem:v1+s4+$0x0], $0xffff;
	_ =	sdelay $0x1  }
0x79: {  	v2 =	vadd.s32 v0, v2;
	_ =	sdelay $0x1  }
0x7a: {  	s16 =	sadd.s32 @p1 $0x10, s16;
	s17 =	simm.s32 $0x3670  }
0x7b: {  	s17 =	smov.u32 @p1 s16;
	v1 =	vpsel p0, v1, v0  }
0x7c: {  	[tilespmem:s17+$0x0] =	vst @p0 v1  }
0x7d: {  	v1 =	vld.idx.msk [tilespmem:v2+s4+$0x0], $0xffff  }
.Ltmp15:
0x7e: {  	_ = 	snop;
	(pc) =	sbr.rel .LBB2_24-.Ltmp15, $4  }
0x7f: {  	_ = 	snop  }
0x80: {  	s16 =	sadd.s32 @p0 $0x10, s17  }
0x81: {  	s15 =	smov.u32 @p0 s16  }
0x82: {  	s16 =	simm.s32 $0x0;
	s17 =	simm.s32 $0x0;
	[tilespmem:s15+$0x0] =	vst v1;
	s15 =	simm.s32 $0x0  }
.LBB2_30:
0x83: {  	s20 =	sadd.s32 $0x1, s14  }
0x84: {  	_ =	swait.ge [sflag:s10], $0x6800;
	p0 =	seq.s32 s20, $0x20  }
0x85: {  	[sflag:s10] =	ssyncset.done $0x0;
	s20 =	simm.s32 @p0 $0x0  }
0x86: {  	p6 =	seq.s32 s17, $0x1F;
	[sflag:s10] =	ssyncadd.s32 $0xFFFF9800;
	p1 =	sne.s32 s14, s20  }
0x87: {  	_ =	swait.ge [sflag:s11], $0x6800;
	s14 =	sadd.s32 s6, s14;
	p0 =	por p6, p1  }
0x88: {  	[sflag:s11] =	ssyncset.done $0x0;
	s14 =	smul.u32 @p0 $0xD000, s14  }
0x89: {  	p1 =	seq.s32 s17, $0x0;
	[sflag:s11] =	ssyncadd.s32 $0xFFFF9800  }
0x8a: {  	s18 =	sadd.s32 @p0 $0x3, s18;
	_ =	strace $0x90000048;
	s14 =	sshrl.u32 @p0 s14, $0x3  }
0x8b: {  	s21 =	simm.s32 @p0 $0x0;
	_ =	strace @p0 $0x80000049;
	s14 =	sadd.s32 @p0 s3, s14  }
0x8c: {  	[hbm4b:s14+s21] =	stream.linear.scatter @p0 [tilespmem:s19], [sflag:s18], $0xD000, $0x200038;
	[tilespmem:$0x1DA80] =	vst v63  }
0x8d: {  	s18 =	simm.s32 $0x1;
	s19 =	simm.s32 $0x1;
	_ =	strace @p0 $0x90000049  }
0x8e: {  	s18 =	simm.s32 @!p0 $0x0;
	p0 =	sne.s32 s17, $0x0;
	s17 =	sadd.s32 $0x1, s17  }
0x8f: {  	s14 =	sand.u32 @!p1 $0x1, s15;
	s19 =	simm.s32 @!p0 $0x0;
	p0 =	sne.s32 s17, $0x20  }
.Ltmp16:
0x90: {  	s14 =	sadd.s32 @!p1 $0x3, s14;
	_ =	strace @!p1 $0x8000004A;
	(pc) =	sbr.rel @!p0 .LBB2_31-.Ltmp16, $4  }
0x91: {  	_ =	swait.ge @!p1 [sflag:s14], $0xD000  }
0x92: {  	[sflag:s14] =	ssyncset.done @!p1 $0x0  }
0x93: {  	s16 =	sadd.s32 s18, s16;
	[sflag:s14] =	ssyncadd.s32 @!p1 $0xFFFF3000  }
0x94: {  	s15 =	sadd.s32 s19, s15;
	s14 =	smov.u32 s20;
	_ =	strace @!p1 $0x9000004A  }
.LBB2_24:
0x95: {  	s18 =	sand.u32 $0x1, s16  }
0x96: {  	s19 =	sand.u32 $0x3, s14;
	s20 =	smul.u32 $0x34000, s18  }
0x97: {  	s19 =	smul.u32 $0x680, s19;
	_ =	sdelay $0x1  }
0x98: {  	s20 =	sshrl.u32 s20, $0x2;
	s21 =	sshrl.u32 s19, $0x2  }
0x99: {  	_ =	strace $0x80000048;
	s19 =	sadd.s32 $0x3A80, s20;
	s22 =	sadd.s32 $0x3400, s21  }
0x9a: {  	[tilespmem:s19], [sflag:$0x1] =	stream.indirect.gather [hbm4b:s0+s9], $0x80, s22, s9, $0x2000b8;
	[tilespmem:$0x1DA80] =	vst v63  }
0x9b: {  	s20 =	sadd.s32 $0xA280, s20;
	s21 =	sadd.s32 $0x34D0, s21  }
0x9c: {  	[tilespmem:s20], [sflag:$0x2] =	stream.indirect.gather [hbm4b:s0+s9], $0x80, s21, s9, $0x2000b8;
	[tilespmem:$0x1DA80] =	vst v63  }
0x9d: {  	s21 =	sadd.s32 $0x2, s14  }
0x9e: {  	p0 =	sgt.s32 s21, $0x1F  }
.Ltmp17:
0x9f: {  	_ = 	snop;
	(pc) =	sbr.rel @p0 .LBB2_30-.Ltmp17, $1  }
0xa0: {  	_ =	sdelay $0x3  }
0xa1: {  	s20 =	smul.u32 $0x1A0, s21;
	_ =	sdelay $0x1  }
0xa2: {  	s22 =	sadd.s32 $0x0, s20  }
0xa3: {  	v1 =	vadd.s32 s22, v0;
	_ =	sdelay $0x3  }
0xa4: {  	s30 =	sshll.u32 s21, $0x1  }
0xa5: {  	s21 =	sand.u32 $0x6, s30;
	s31 =	sadd.s32 $0x2, s20;
	v1 =	vld.idx.msk [tilespmem:v1+s4+$0x0], $0xffff  }
0xa6: {  	s21 =	smul.u32 $0x340, s21;
	v2 =	vadd.s32 s31, v0;
	_ =	sdelay $0x1  }
0xa7: {  	s21 =	sshrl.u32 s21, $0x2  }
0xa8: {  	s22 =	sadd.s32 $0x3400, s21  }
0xa9: {  	[tilespmem:s22+$0x0] =	vst v1  }
0xaa: {  	s23 =	simm.s32 $0x6;
	s24 =	sadd.s32 $0x4, s20;
	v1 =	vld.idx.msk [tilespmem:v2+s4+$0x0], $0xffff  }
.LBB2_26:
0xab: {  	p0 =	sne.s32 s23, $0x18;
	v2 =	vadd.s32 s24, v0;
	_ =	sdelay $0x1  }
.Ltmp18:
0xac: {  	(pc) =	sbr.rel @p0 .LBB2_26-.Ltmp18, $4  }
0xad: {  	s22 =	sadd.s32 $0x10, s22  }
0xae: {  	[tilespmem:s22+$0x0] =	vst v1  }
0xaf: {  	v1 =	vld.idx.msk [tilespmem:v2+s4+$0x0], $0xffff  }
0xb0: {  	s24 =	sadd.s32 s20, s23;
	s23 =	sadd.s32 $0x2, s23  }
0xb1: {  	v2 =	vadd.s32 s24, v0;
	_ =	sdelay $0x2  }
0xb2: {  	s22 =	sadd.s32 $0x10, s22  }
0xb3: {  	s20 =	sadd.s32 $0xD0, s20;
	[tilespmem:s22+$0x0] =	vst v1  }
0xb4: {  	s23 =	sadd.s32 $0x0, s20;
	v1 =	vld.idx.msk [tilespmem:v2+s4+$0x0], $0xffff  }
0xb5: {  	v2 =	vadd.s32 s23, v0;
	_ =	sdelay $0x2  }
0xb6: {  	s22 =	sadd.s32 $0x10, s22  }
0xb7: {  	[tilespmem:s22+$0x0] =	vst v1  }
0xb8: {  	s31 =	sadd.s32 $0x2, s20;
	v1 =	vld.idx.msk [tilespmem:v2+s4+$0x0], $0xffff  }
0xb9: {  	v2 =	vadd.s32 s31, v0;
	_ =	sdelay $0x2  }
0xba: {  	s21 =	sadd.s32 $0x34D0, s21  }
0xbb: {  	[tilespmem:s21+$0x0] =	vst v1  }
0xbc: {  	s23 =	sadd.s32 $0x4, s20;
	s22 =	simm.s32 $0x6;
	v1 =	vld.idx.msk [tilespmem:v2+s4+$0x0], $0xffff  }
.LBB2_28:
0xbd: {  	p0 =	sne.s32 s22, $0x18;
	v2 =	vadd.s32 s23, v0;
	_ =	sdelay $0x1  }
.Ltmp19:
0xbe: {  	(pc) =	sbr.rel @p0 .LBB2_28-.Ltmp19, $4  }
0xbf: {  	s21 =	sadd.s32 $0x10, s21  }
0xc0: {  	[tilespmem:s21+$0x0] =	vst v1  }
0xc1: {  	v1 =	vld.idx.msk [tilespmem:v2+s4+$0x0], $0xffff  }
0xc2: {  	s23 =	sadd.s32 s20, s22;
	s22 =	sadd.s32 $0x2, s22  }
0xc3: {  	v2 =	vadd.s32 s23, v0;
	_ =	sdelay $0x2  }
0xc4: {  	s20 =	sadd.s32 $0x10, s21  }
0xc5: {  	[tilespmem:s20+$0x0] =	vst v1  }
0xc6: {  	v1 =	vld.idx.msk [tilespmem:v2+s4+$0x0], $0xffff  }
.Ltmp20:
0xc7: {  	_ = 	snop;
	(pc) =	sbr.rel .LBB2_30-.Ltmp20, $3  }
0xc8: {  	_ =	sdelay $0x1  }
0xc9: {  	s20 =	sadd.s32 $0x10, s20  }
0xca: {  	[tilespmem:s20+$0x0] =	vst v1  }
.LBB2_10:
.Ltmp21:
0xcb: {  	(pc) =	sbr.rel .LBB2_16-.Ltmp21, $2  }
0xcc: {  	_ =	sdelay $0x2  }
0xcd: {  	s14 =	simm.s32 $0x35A0;
	p1 =	por $0x0, $0x0  }
.LBB2_17:
.Ltmp22:
0xce: {  	(pc) =	sbr.rel .LBB2_23-.Ltmp22, $2  }
0xcf: {  	_ =	sdelay $0x2  }
0xd0: {  	s16 =	simm.s32 $0x3670  }
.LBB2_5:
.Ltmp23:
0xd1: {  	(pc) =	sbr.rel .LBB2_9-.Ltmp23, $2  }
0xd2: {  	_ =	sdelay $0x2  }
0xd3: {  	s17 =	simm.s32 $0x34D0;
	p3 =	por $0x0, $0x0  }
.LBB2_12:
.Ltmp24:
0xd4: {  	(pc) =	sbr.rel .LBB2_16-.Ltmp24, $2  }
0xd5: {  	_ =	sdelay $0x2  }
0xd6: {  	s14 =	simm.s32 $0x35A0  }
.LBB2_19:
.Ltmp25:
0xd7: {  	(pc) =	sbr.rel .LBB2_23-.Ltmp25, $2  }
0xd8: {  	_ =	sdelay $0x2  }
0xd9: {  	s16 =	simm.s32 $0x3670  }
.LBB2_7:
.Ltmp26:
0xda: {  	(pc) =	sbr.rel .LBB2_9-.Ltmp26, $2  }
0xdb: {  	_ =	sdelay $0x2  }
0xdc: {  	s17 =	simm.s32 $0x34D0  }
.LBB2_14:
.Ltmp27:
0xdd: {  	(pc) =	sbr.rel .LBB2_16-.Ltmp27, $2  }
0xde: {  	_ =	sdelay $0x2  }
0xdf: {  	s14 =	simm.s32 $0x35A0  }
.LBB2_21:
.Ltmp28:
0xe0: {  	(pc) =	sbr.rel .LBB2_23-.Ltmp28, $2  }
0xe1: {  	_ =	sdelay $0x2  }
0xe2: {  	s16 =	simm.s32 $0x3670  }
.LBB2_32:
0xe3: {  	_ =	sfence.sel $0x180000  }
0xe4: {  	[bflag:$0x0] =	sbarrier.arrive $0xFFFF  }
0xe5: {  	p0 =	sne.s32 s1, $0x0;
	_ =	strace $0x90000047  }
0xe6: {  	s0 =	sadd.s32 @!p0 $0x100000, s2;
	[bflag:$0x2] =	sbarrier.arrive $0xFFFF  }
0xe7: {  	[sflag:s0] =	ssyncadd.tile.s32 @!p0 $0x1;
	_ =	shalt  }
.Lfunc_end2:
_tile_overlayer_lowered:
.L_overlay_start_2:
0xe8: {  	(tag) =	ssettag $0x2  }
0xe9: {  	s0 =	rddreg [dreg:$0x0];
	s2 =	stileid.u32  }
0xea: {  	s1 =	rddreg [dreg:$0x1];
	p0 =	sne.s32 s2, $0x0  }
0xeb: {  	s3 =	rddreg [dreg:$0x2];
	[bflag:$0x3] =	sbarrier.arrive $0xFFFF;
	s2 =	simm.s32 @!p0 $0x1C03  }
0xec: {  	[timem:s3], [sflag:s2] =	dma.local @!p0 [hbm:s0], s1  }
0xed: {  	s0 =	simm.s32 @!p0 $0x3  }
0xee: {  	_ =	swait.ge @!p0 [sflag:s0], s1  }
0xef: {  	s1 =	ssub.s32 @!p0 $0x0, s1;
	[sflag:s0] =	ssyncset.done @!p0 $0x0  }
0xf0: {  	[sflag:s0] =	ssyncadd.s32 @!p0 s1  }
0xf1: {  	[bflag:$0x3] =	sbarrier.arrive $0xFFFF  }
0xf2: {  	_ =	shalt  }

</sc_bundles>
